<compile_context>
chip_gen: v7x
topology: tpu7x:2x2x1
jax: 0.10.2.dev20260603
libtpu: 0.0.44.dev20260713+nightly
codegen_flags: <defaults>
</compile_context>

<pallas_src>
import functools

import jax
import jax.numpy as jnp
from jax import lax
from jax.experimental import pallas as pl
from jax.experimental.pallas import tpu as pltpu
from jax.experimental.pallas import tpu_sc as plsc

_NBUF = 8


def _gather_fn(n_batch, seq, d, n_workers):
    w = 2 * d
    rows_per_w = n_batch // n_workers
    idx_per_w = rows_per_w * seq
    n_chunks = rows_per_w
    assert n_chunks % _NBUF == 0 and n_chunks // _NBUF >= 2
    mesh = plsc.VectorSubcoreMesh(core_axis_name="c", subcore_axis_name="s")

    @functools.partial(
        pl.kernel,
        mesh=mesh,
        out_type=jax.ShapeDtypeStruct((n_batch, seq, w), jnp.float32),
        compiler_params=pltpu.CompilerParams(use_tc_tiling_on_sc=False),
        scratch_types=[
            pltpu.VMEM((idx_per_w,), jnp.int32),
            *[pltpu.VMEM((seq, d), jnp.float32) for _ in range(_NBUF)],
            *[pltpu.SemaphoreType.DMA for _ in range(2 * _NBUF)],
        ],
    )
    def k(idx_hbm, table_hbm, out_hbm, idx_v, *bufs_and_sems):
        rows_v = bufs_and_sems[:_NBUF]
        gsem = bufs_and_sems[_NBUF:2 * _NBUF]
        osem = bufs_and_sems[2 * _NBUF:]
        wid = lax.axis_index("s") * 2 + lax.axis_index("c")
        base = wid * idx_per_w
        row0 = wid * rows_per_w

        def idx_slice(g):
            return idx_v.at[pl.ds(g * seq, seq)]

        def start_gather(g, b):
            pltpu.async_copy(table_hbm.at[idx_slice(g)], rows_v[b], gsem[b])

        def wait_gather(g, b):
            pltpu.make_async_copy(table_hbm.at[idx_slice(g)], rows_v[b],
                                  gsem[b]).wait()

        def out_slice(g):
            return out_hbm.at[row0 + g, :, pl.ds(0, d)]

        pltpu.sync_copy(idx_hbm.at[pl.ds(base, idx_per_w)], idx_v)

        for b in range(_NBUF):
            start_gather(b, b)

        def body(i, carry):
            for b in range(_NBUF):
                g = i * _NBUF + b
                wait_gather(g, b)
                pltpu.async_copy(rows_v[b], out_slice(g), osem[b])

                @pl.when(i * _NBUF + b + _NBUF < n_chunks)
                def _():
                    pltpu.make_async_copy(rows_v[b], out_slice(g),
                                          osem[b]).wait()
                    start_gather(g + _NBUF, b)

            return carry

        lax.fori_loop(0, n_chunks // _NBUF, body, 0)

        for b in range(_NBUF):
            g = n_chunks - _NBUF + b
            pltpu.make_async_copy(rows_v[b], out_slice(g), osem[b]).wait()

    return k


def kernel(input_ids, table):
    b, s = input_ids.shape
    v, d = table.shape
    idx = input_ids.reshape(b * s).astype(jnp.int32)
    wide = _gather_fn(b, s, d, 32)(idx, table)
    return wide[:, :, :d]

# --- scband reference (transcript-rebuilt; emitter-appended) ---
"""Pipeline reference for scband-token-embedding-4664334484008 (READ-ONLY COPY).

The authoritative reference and input builder live on the scoring server;
editing this copy changes nothing except your own understanding.
"""

import jax, jax.numpy as jnp
import numpy as np

VOCAB = 1000000
EMBED = 64
BATCH = 4096
SEQ = 200

def setup_inputs(seed: int = 0) -> dict:
    key = jax.random.key(seed)
    k_idx, k_tab = jax.random.split(key)
    input_ids = jax.random.randint(k_idx, (BATCH, SEQ), 0, VOCAB, dtype=jnp.int64 if jax.config.jax_enable_x64 else jnp.int32)
    # nn.Embedding default init: N(0, 1)
    table = jax.random.normal(k_tab, (VOCAB, EMBED), dtype=jnp.float32)
    return {"input_ids": input_ids, "table": table}

def reference(input_ids, table):
    # nn.Embedding forward: gather rows of the table
    return jnp.take(table, input_ids, axis=0)

if __name__ == "__main__":
    import jax
    _d = setup_inputs()
    print(jax.jit(kernel)(*tuple(_d.values())))

</pallas_src>

<mosaic_0001>
#map = affine_map<(d0, d1) -> (0)>
#map1 = affine_map<(d0, d1) -> (0, 0)>
#map2 = affine_map<(d0, d1) -> (0, 0, 0)>
module attributes {stable_mosaic.version = 14 : i64} {
  func.func @k(%arg0: i32, %arg1: i32, %arg2: memref<819200xi32, #tpu.memory_space<hbm>>, %arg3: memref<1000000x64xf32, #tpu.memory_space<hbm>>, %arg4: memref<4096x200x128xf32, #tpu.memory_space<hbm>>, %arg5: memref<25600xi32, #tpu.memory_space<vmem>>, %arg6: memref<200x64xf32, #tpu.memory_space<vmem>>, %arg7: memref<200x64xf32, #tpu.memory_space<vmem>>, %arg8: memref<200x64xf32, #tpu.memory_space<vmem>>, %arg9: memref<200x64xf32, #tpu.memory_space<vmem>>, %arg10: memref<200x64xf32, #tpu.memory_space<vmem>>, %arg11: memref<200x64xf32, #tpu.memory_space<vmem>>, %arg12: memref<200x64xf32, #tpu.memory_space<vmem>>, %arg13: memref<200x64xf32, #tpu.memory_space<vmem>>, %arg14: memref<!tpu.dma_semaphore, #tpu.memory_space<semaphore_mem>>, %arg15: memref<!tpu.dma_semaphore, #tpu.memory_space<semaphore_mem>>, %arg16: memref<!tpu.dma_semaphore, #tpu.memory_space<semaphore_mem>>, %arg17: memref<!tpu.dma_semaphore, #tpu.memory_space<semaphore_mem>>, %arg18: memref<!tpu.dma_semaphore, #tpu.memory_space<semaphore_mem>>, %arg19: memref<!tpu.dma_semaphore, #tpu.memory_space<semaphore_mem>>, %arg20: memref<!tpu.dma_semaphore, #tpu.memory_space<semaphore_mem>>, %arg21: memref<!tpu.dma_semaphore, #tpu.memory_space<semaphore_mem>>, %arg22: memref<!tpu.dma_semaphore, #tpu.memory_space<semaphore_mem>>, %arg23: memref<!tpu.dma_semaphore, #tpu.memory_space<semaphore_mem>>, %arg24: memref<!tpu.dma_semaphore, #tpu.memory_space<semaphore_mem>>, %arg25: memref<!tpu.dma_semaphore, #tpu.memory_space<semaphore_mem>>, %arg26: memref<!tpu.dma_semaphore, #tpu.memory_space<semaphore_mem>>, %arg27: memref<!tpu.dma_semaphore, #tpu.memory_space<semaphore_mem>>, %arg28: memref<!tpu.dma_semaphore, #tpu.memory_space<semaphore_mem>>, %arg29: memref<!tpu.dma_semaphore, #tpu.memory_space<semaphore_mem>>) attributes {dimension_semantics = [#tpu.dimension_semantics<core_parallel>, #tpu.dimension_semantics<subcore_parallel>], iteration_bounds = array<i64: 2, 16>, scalar_prefetch = 0 : i64, scratch_operands = 25 : i64, tpu.core_type = #tpu.core_type<sc_vector_subcore>, window_params = [{transform_indices = #map}, {transform_indices = #map1}, {transform_indices = #map2}]} {
    %mul3A = arith.constant 2 : i32
    %mul3A_0 = arith.muli %arg1, %mul3A : i32
    %add3A = arith.addi %mul3A_0, %arg0 : i32
    %mul3A_1 = arith.constant 25600 : i32
    %mul3A_2 = arith.muli %add3A, %mul3A_1 : i32
    %mul3A_3 = arith.constant 128 : i32
    %mul3A_4 = arith.muli %add3A, %mul3A_3 : i32
    "tpu.region"() ({
      %run_scoped3A = tpu.sem_alloc : memref<!tpu.dma_semaphore, #tpu.memory_space<semaphore_mem>>
      %dma_start3A_128 = tpu.memref_slice %arg2[%mul3A_2] : memref<819200xi32, #tpu.memory_space<hbm>> -> memref<25600xi32, #tpu.memory_space<hbm>>
      %dma_start3A_129 = tpu.memref_slice %arg2[%mul3A_2] : memref<819200xi32, #tpu.memory_space<hbm>> -> memref<25600xi32, #tpu.memory_space<hbm>>
      tpu.enqueue_dma source(%dma_start3A_129 : memref<25600xi32, #tpu.memory_space<hbm>>) target(%arg5 : memref<25600xi32, #tpu.memory_space<vmem>>) target_semaphore(%run_scoped3A : memref<!tpu.dma_semaphore, #tpu.memory_space<semaphore_mem>>)
      %dma_wait3A_130 = tpu.memref_slice %arg2[%mul3A_2] : memref<819200xi32, #tpu.memory_space<hbm>> -> memref<25600xi32, #tpu.memory_space<hbm>>
      %dma_wait3A_131 = tpu.memref_slice %arg2[%mul3A_2] : memref<819200xi32, #tpu.memory_space<hbm>> -> memref<25600xi32, #tpu.memory_space<hbm>>
      tpu.wait_dma2 semaphore(%run_scoped3A : memref<!tpu.dma_semaphore, #tpu.memory_space<semaphore_mem>>) src(%dma_wait3A_131 : memref<25600xi32, #tpu.memory_space<hbm>>) dst(%arg5 : memref<25600xi32, #tpu.memory_space<vmem>>)
      tpu.yield
    }) : () -> ()
    %dma_start3A = arith.constant 0 : i32
    %dma_start3A_5 = tpu.memref_slice %arg5[%dma_start3A] : memref<25600xi32, #tpu.memory_space<vmem>> -> memref<200xi32, #tpu.memory_space<vmem>>
    %dma_start3A_6 = arith.constant 0 : i32
    %dma_start3A_7 = arith.constant 0 : i32
    %dma_start3A_8 = tpu.memref_slice %arg3[%dma_start3A_6, %dma_start3A_7] : memref<1000000x64xf32, #tpu.memory_space<hbm>> -> memref<1000000x64xf32, #tpu.memory_space<hbm>>
    tpu.enqueue_indirect_dma source(%dma_start3A_8 : memref<1000000x64xf32, #tpu.memory_space<hbm>>) target(%arg6 : memref<200x64xf32, #tpu.memory_space<vmem>>) offsets(%dma_start3A_5 : memref<200xi32, #tpu.memory_space<vmem>>) semaphore(%arg14 : memref<!tpu.dma_semaphore, #tpu.memory_space<semaphore_mem>>)
    %dma_start3A_9 = arith.constant 200 : i32
    %dma_start3A_10 = tpu.memref_slice %arg5[%dma_start3A_9] : memref<25600xi32, #tpu.memory_space<vmem>> -> memref<200xi32, #tpu.memory_space<vmem>>
    %dma_start3A_11 = arith.constant 0 : i32
    %dma_start3A_12 = arith.constant 0 : i32
    %dma_start3A_13 = tpu.memref_slice %arg3[%dma_start3A_11, %dma_start3A_12] : memref<1000000x64xf32, #tpu.memory_space<hbm>> -> memref<1000000x64xf32, #tpu.memory_space<hbm>>
    tpu.enqueue_indirect_dma source(%dma_start3A_13 : memref<1000000x64xf32, #tpu.memory_space<hbm>>) target(%arg7 : memref<200x64xf32, #tpu.memory_space<vmem>>) offsets(%dma_start3A_10 : memref<200xi32, #tpu.memory_space<vmem>>) semaphore(%arg15 : memref<!tpu.dma_semaphore, #tpu.memory_space<semaphore_mem>>)
    %dma_start3A_14 = arith.constant 400 : i32
    %dma_start3A_15 = tpu.memref_slice %arg5[%dma_start3A_14] : memref<25600xi32, #tpu.memory_space<vmem>> -> memref<200xi32, #tpu.memory_space<vmem>>
    %dma_start3A_16 = arith.constant 0 : i32
    %dma_start3A_17 = arith.constant 0 : i32
    %dma_start3A_18 = tpu.memref_slice %arg3[%dma_start3A_16, %dma_start3A_17] : memref<1000000x64xf32, #tpu.memory_space<hbm>> -> memref<1000000x64xf32, #tpu.memory_space<hbm>>
    tpu.enqueue_indirect_dma source(%dma_start3A_18 : memref<1000000x64xf32, #tpu.memory_space<hbm>>) target(%arg8 : memref<200x64xf32, #tpu.memory_space<vmem>>) offsets(%dma_start3A_15 : memref<200xi32, #tpu.memory_space<vmem>>) semaphore(%arg16 : memref<!tpu.dma_semaphore, #tpu.memory_space<semaphore_mem>>)
    %dma_start3A_19 = arith.constant 600 : i32
    %dma_start3A_20 = tpu.memref_slice %arg5[%dma_start3A_19] : memref<25600xi32, #tpu.memory_space<vmem>> -> memref<200xi32, #tpu.memory_space<vmem>>
    %dma_start3A_21 = arith.constant 0 : i32
    %dma_start3A_22 = arith.constant 0 : i32
    %dma_start3A_23 = tpu.memref_slice %arg3[%dma_start3A_21, %dma_start3A_22] : memref<1000000x64xf32, #tpu.memory_space<hbm>> -> memref<1000000x64xf32, #tpu.memory_space<hbm>>
    tpu.enqueue_indirect_dma source(%dma_start3A_23 : memref<1000000x64xf32, #tpu.memory_space<hbm>>) target(%arg9 : memref<200x64xf32, #tpu.memory_space<vmem>>) offsets(%dma_start3A_20 : memref<200xi32, #tpu.memory_space<vmem>>) semaphore(%arg17 : memref<!tpu.dma_semaphore, #tpu.memory_space<semaphore_mem>>)
    %dma_start3A_24 = arith.constant 800 : i32
    %dma_start3A_25 = tpu.memref_slice %arg5[%dma_start3A_24] : memref<25600xi32, #tpu.memory_space<vmem>> -> memref<200xi32, #tpu.memory_space<vmem>>
    %dma_start3A_26 = arith.constant 0 : i32
    %dma_start3A_27 = arith.constant 0 : i32
    %dma_start3A_28 = tpu.memref_slice %arg3[%dma_start3A_26, %dma_start3A_27] : memref<1000000x64xf32, #tpu.memory_space<hbm>> -> memref<1000000x64xf32, #tpu.memory_space<hbm>>
    tpu.enqueue_indirect_dma source(%dma_start3A_28 : memref<1000000x64xf32, #tpu.memory_space<hbm>>) target(%arg10 : memref<200x64xf32, #tpu.memory_space<vmem>>) offsets(%dma_start3A_25 : memref<200xi32, #tpu.memory_space<vmem>>) semaphore(%arg18 : memref<!tpu.dma_semaphore, #tpu.memory_space<semaphore_mem>>)
    %dma_start3A_29 = arith.constant 1000 : i32
    %dma_start3A_30 = tpu.memref_slice %arg5[%dma_start3A_29] : memref<25600xi32, #tpu.memory_space<vmem>> -> memref<200xi32, #tpu.memory_space<vmem>>
    %dma_start3A_31 = arith.constant 0 : i32
    %dma_start3A_32 = arith.constant 0 : i32
    %dma_start3A_33 = tpu.memref_slice %arg3[%dma_start3A_31, %dma_start3A_32] : memref<1000000x64xf32, #tpu.memory_space<hbm>> -> memref<1000000x64xf32, #tpu.memory_space<hbm>>
    tpu.enqueue_indirect_dma source(%dma_start3A_33 : memref<1000000x64xf32, #tpu.memory_space<hbm>>) target(%arg11 : memref<200x64xf32, #tpu.memory_space<vmem>>) offsets(%dma_start3A_30 : memref<200xi32, #tpu.memory_space<vmem>>) semaphore(%arg19 : memref<!tpu.dma_semaphore, #tpu.memory_space<semaphore_mem>>)
    %dma_start3A_34 = arith.constant 1200 : i32
    %dma_start3A_35 = tpu.memref_slice %arg5[%dma_start3A_34] : memref<25600xi32, #tpu.memory_space<vmem>> -> memref<200xi32, #tpu.memory_space<vmem>>
    %dma_start3A_36 = arith.constant 0 : i32
    %dma_start3A_37 = arith.constant 0 : i32
    %dma_start3A_38 = tpu.memref_slice %arg3[%dma_start3A_36, %dma_start3A_37] : memref<1000000x64xf32, #tpu.memory_space<hbm>> -> memref<1000000x64xf32, #tpu.memory_space<hbm>>
    tpu.enqueue_indirect_dma source(%dma_start3A_38 : memref<1000000x64xf32, #tpu.memory_space<hbm>>) target(%arg12 : memref<200x64xf32, #tpu.memory_space<vmem>>) offsets(%dma_start3A_35 : memref<200xi32, #tpu.memory_space<vmem>>) semaphore(%arg20 : memref<!tpu.dma_semaphore, #tpu.memory_space<semaphore_mem>>)
    %dma_start3A_39 = arith.constant 1400 : i32
    %dma_start3A_40 = tpu.memref_slice %arg5[%dma_start3A_39] : memref<25600xi32, #tpu.memory_space<vmem>> -> memref<200xi32, #tpu.memory_space<vmem>>
    %dma_start3A_41 = arith.constant 0 : i32
    %dma_start3A_42 = arith.constant 0 : i32
    %dma_start3A_43 = tpu.memref_slice %arg3[%dma_start3A_41, %dma_start3A_42] : memref<1000000x64xf32, #tpu.memory_space<hbm>> -> memref<1000000x64xf32, #tpu.memory_space<hbm>>
    tpu.enqueue_indirect_dma source(%dma_start3A_43 : memref<1000000x64xf32, #tpu.memory_space<hbm>>) target(%arg13 : memref<200x64xf32, #tpu.memory_space<vmem>>) offsets(%dma_start3A_40 : memref<200xi32, #tpu.memory_space<vmem>>) semaphore(%arg21 : memref<!tpu.dma_semaphore, #tpu.memory_space<semaphore_mem>>)
    %scan3A = arith.constant 0 : i32
    %scan3A_44 = arith.constant 0 : i32
    %scan3A_45 = arith.constant 16 : i32
    %scan3A_46 = arith.addi %scan3A_44, %scan3A_45 : i32
    %scan3A_47 = arith.constant 1 : i32
    scf.for %scan3A_128 = %scan3A_44 to %scan3A_46 step %scan3A_47  : i32 {
      %mul3A_129 = arith.constant 8 : i32
      %mul3A_130 = arith.muli %scan3A_128, %mul3A_129 : i32
      %add3A_131 = arith.constant 0 : i32
      %add3A_132 = arith.addi %mul3A_130, %add3A_131 : i32
      %mul3A_133 = arith.constant 200 : i32
      %mul3A_134 = arith.muli %add3A_132, %mul3A_133 : i32
      %dma_wait3A_135 = tpu.memref_slice %arg5[%mul3A_134] : memref<25600xi32, #tpu.memory_space<vmem>> -> memref<200xi32, #tpu.memory_space<vmem>>
      %dma_wait3A_136 = arith.constant 0 : i32
      %dma_wait3A_137 = arith.constant 0 : i32
      %dma_wait3A_138 = tpu.memref_slice %arg3[%dma_wait3A_136, %dma_wait3A_137] : memref<1000000x64xf32, #tpu.memory_space<hbm>> -> memref<1000000x64xf32, #tpu.memory_space<hbm>>
      tpu.wait_indirect_dma semaphore(%arg14 : memref<!tpu.dma_semaphore, #tpu.memory_space<semaphore_mem>>) src(%dma_wait3A_138 : memref<1000000x64xf32, #tpu.memory_space<hbm>>) dst(%arg6 : memref<200x64xf32, #tpu.memory_space<vmem>>)
      %add3A_139 = arith.addi %mul3A_4, %add3A_132 : i32
      %dma_start3A_140 = arith.constant 0 : i32
      %dma_start3A_141 = arith.constant 0 : i32
      %dma_start3A_142 = tpu.memref_slice %arg4[%add3A_139, %dma_start3A_140, %dma_start3A_141] : memref<4096x200x128xf32, #tpu.memory_space<hbm>> -> memref<1x200x64xf32, #tpu.memory_space<hbm>>
      %dma_start3A_143 = tpu.memref_squeeze %dma_start3A_142 : memref<1x200x64xf32, #tpu.memory_space<hbm>> -> memref<200x64xf32, #tpu.memory_space<hbm>>
      %dma_start3A_144 = arith.constant 0 : i32
      %dma_start3A_145 = arith.constant 0 : i32
      %dma_start3A_146 = tpu.memref_slice %arg4[%add3A_139, %dma_start3A_144, %dma_start3A_145] : memref<4096x200x128xf32, #tpu.memory_space<hbm>> -> memref<1x200x64xf32, #tpu.memory_space<hbm>>
      %dma_start3A_147 = tpu.memref_squeeze %dma_start3A_146 : memref<1x200x64xf32, #tpu.memory_space<hbm>> -> memref<200x64xf32, #tpu.memory_space<hbm>>
      tpu.enqueue_dma source(%arg6 : memref<200x64xf32, #tpu.memory_space<vmem>>) target(%dma_start3A_147 : memref<200x64xf32, #tpu.memory_space<hbm>>) target_semaphore(%arg22 : memref<!tpu.dma_semaphore, #tpu.memory_space<semaphore_mem>>)
      %mul3A_148 = arith.constant 8 : i32
      %mul3A_149 = arith.muli %scan3A_128, %mul3A_148 : i32
      %add3A_150 = arith.constant 0 : i32
      %add3A_151 = arith.addi %mul3A_149, %add3A_150 : i32
      %add3A_152 = arith.constant 8 : i32
      %add3A_153 = arith.addi %add3A_151, %add3A_152 : i32
      %lt3A = arith.constant 128 : i32
      %lt3A_154 = arith.cmpi slt, %add3A_153, %lt3A : i32
      %convert_element_type3A = arith.extui %lt3A_154 : i1 to i32
      %cond3A = arith.constant 0 : i32
      %cond3A_155 = arith.cmpi ne, %convert_element_type3A, %cond3A : i32
      scf.if %cond3A_155 {
        %add3A_366 = arith.addi %mul3A_4, %add3A_132 : i32
        %dma_wait3A_367 = arith.constant 0 : i32
        %dma_wait3A_368 = arith.constant 0 : i32
        %dma_wait3A_369 = tpu.memref_slice %arg4[%add3A_366, %dma_wait3A_367, %dma_wait3A_368] : memref<4096x200x128xf32, #tpu.memory_space<hbm>> -> memref<1x200x64xf32, #tpu.memory_space<hbm>>
        %dma_wait3A_370 = tpu.memref_squeeze %dma_wait3A_369 : memref<1x200x64xf32, #tpu.memory_space<hbm>> -> memref<200x64xf32, #tpu.memory_space<hbm>>
        %dma_wait3A_371 = arith.constant 0 : i32
        %dma_wait3A_372 = arith.constant 0 : i32
        %dma_wait3A_373 = tpu.memref_slice %arg4[%add3A_366, %dma_wait3A_371, %dma_wait3A_372] : memref<4096x200x128xf32, #tpu.memory_space<hbm>> -> memref<1x200x64xf32, #tpu.memory_space<hbm>>
        %dma_wait3A_374 = tpu.memref_squeeze %dma_wait3A_373 : memref<1x200x64xf32, #tpu.memory_space<hbm>> -> memref<200x64xf32, #tpu.memory_space<hbm>>
        tpu.wait_dma2 semaphore(%arg22 : memref<!tpu.dma_semaphore, #tpu.memory_space<semaphore_mem>>) src(%arg6 : memref<200x64xf32, #tpu.memory_space<vmem>>) dst(%dma_wait3A_374 : memref<200x64xf32, #tpu.memory_space<hbm>>)
        %add3A_375 = arith.constant 8 : i32
        %add3A_376 = arith.addi %add3A_132, %add3A_375 : i32
        %mul3A_377 = arith.constant 200 : i32
        %mul3A_378 = arith.muli %add3A_376, %mul3A_377 : i32
        %dma_start3A_379 = tpu.memref_slice %arg5[%mul3A_378] : memref<25600xi32, #tpu.memory_space<vmem>> -> memref<200xi32, #tpu.memory_space<vmem>>
        %dma_start3A_380 = arith.constant 0 : i32
        %dma_start3A_381 = arith.constant 0 : i32
        %dma_start3A_382 = tpu.memref_slice %arg3[%dma_start3A_380, %dma_start3A_381] : memref<1000000x64xf32, #tpu.memory_space<hbm>> -> memref<1000000x64xf32, #tpu.memory_space<hbm>>
        tpu.enqueue_indirect_dma source(%dma_start3A_382 : memref<1000000x64xf32, #tpu.memory_space<hbm>>) target(%arg6 : memref<200x64xf32, #tpu.memory_space<vmem>>) offsets(%dma_start3A_379 : memref<200xi32, #tpu.memory_space<vmem>>) semaphore(%arg14 : memref<!tpu.dma_semaphore, #tpu.memory_space<semaphore_mem>>)
      } else {
      }
      %mul3A_156 = arith.constant 8 : i32
      %mul3A_157 = arith.muli %scan3A_128, %mul3A_156 : i32
      %add3A_158 = arith.constant 1 : i32
      %add3A_159 = arith.addi %mul3A_157, %add3A_158 : i32
      %mul3A_160 = arith.constant 200 : i32
      %mul3A_161 = arith.muli %add3A_159, %mul3A_160 : i32
      %dma_wait3A_162 = tpu.memref_slice %arg5[%mul3A_161] : memref<25600xi32, #tpu.memory_space<vmem>> -> memref<200xi32, #tpu.memory_space<vmem>>
      %dma_wait3A_163 = arith.constant 0 : i32
      %dma_wait3A_164 = arith.constant 0 : i32
      %dma_wait3A_165 = tpu.memref_slice %arg3[%dma_wait3A_163, %dma_wait3A_164] : memref<1000000x64xf32, #tpu.memory_space<hbm>> -> memref<1000000x64xf32, #tpu.memory_space<hbm>>
      tpu.wait_indirect_dma semaphore(%arg15 : memref<!tpu.dma_semaphore, #tpu.memory_space<semaphore_mem>>) src(%dma_wait3A_165 : memref<1000000x64xf32, #tpu.memory_space<hbm>>) dst(%arg7 : memref<200x64xf32, #tpu.memory_space<vmem>>)
      %add3A_166 = arith.addi %mul3A_4, %add3A_159 : i32
      %dma_start3A_167 = arith.constant 0 : i32
      %dma_start3A_168 = arith.constant 0 : i32
      %dma_start3A_169 = tpu.memref_slice %arg4[%add3A_166, %dma_start3A_167, %dma_start3A_168] : memref<4096x200x128xf32, #tpu.memory_space<hbm>> -> memref<1x200x64xf32, #tpu.memory_space<hbm>>
      %dma_start3A_170 = tpu.memref_squeeze %dma_start3A_169 : memref<1x200x64xf32, #tpu.memory_space<hbm>> -> memref<200x64xf32, #tpu.memory_space<hbm>>
      %dma_start3A_171 = arith.constant 0 : i32
      %dma_start3A_172 = arith.constant 0 : i32
      %dma_start3A_173 = tpu.memref_slice %arg4[%add3A_166, %dma_start3A_171, %dma_start3A_172] : memref<4096x200x128xf32, #tpu.memory_space<hbm>> -> memref<1x200x64xf32, #tpu.memory_space<hbm>>
      %dma_start3A_174 = tpu.memref_squeeze %dma_start3A_173 : memref<1x200x64xf32, #tpu.memory_space<hbm>> -> memref<200x64xf32, #tpu.memory_space<hbm>>
      tpu.enqueue_dma source(%arg7 : memref<200x64xf32, #tpu.memory_space<vmem>>) target(%dma_start3A_174 : memref<200x64xf32, #tpu.memory_space<hbm>>) target_semaphore(%arg23 : memref<!tpu.dma_semaphore, #tpu.memory_space<semaphore_mem>>)
      %mul3A_175 = arith.constant 8 : i32
      %mul3A_176 = arith.muli %scan3A_128, %mul3A_175 : i32
      %add3A_177 = arith.constant 1 : i32
      %add3A_178 = arith.addi %mul3A_176, %add3A_177 : i32
      %add3A_179 = arith.constant 8 : i32
      %add3A_180 = arith.addi %add3A_178, %add3A_179 : i32
      %lt3A_181 = arith.constant 128 : i32
      %lt3A_182 = arith.cmpi slt, %add3A_180, %lt3A_181 : i32
      %convert_element_type3A_183 = arith.extui %lt3A_182 : i1 to i32
      %cond3A_184 = arith.constant 0 : i32
      %cond3A_185 = arith.cmpi ne, %convert_element_type3A_183, %cond3A_184 : i32
      scf.if %cond3A_185 {
        %add3A_366 = arith.addi %mul3A_4, %add3A_159 : i32
        %dma_wait3A_367 = arith.constant 0 : i32
        %dma_wait3A_368 = arith.constant 0 : i32
        %dma_wait3A_369 = tpu.memref_slice %arg4[%add3A_366, %dma_wait3A_367, %dma_wait3A_368] : memref<4096x200x128xf32, #tpu.memory_space<hbm>> -> memref<1x200x64xf32, #tpu.memory_space<hbm>>
        %dma_wait3A_370 = tpu.memref_squeeze %dma_wait3A_369 : memref<1x200x64xf32, #tpu.memory_space<hbm>> -> memref<200x64xf32, #tpu.memory_space<hbm>>
        %dma_wait3A_371 = arith.constant 0 : i32
        %dma_wait3A_372 = arith.constant 0 : i32
        %dma_wait3A_373 = tpu.memref_slice %arg4[%add3A_366, %dma_wait3A_371, %dma_wait3A_372] : memref<4096x200x128xf32, #tpu.memory_space<hbm>> -> memref<1x200x64xf32, #tpu.memory_space<hbm>>
        %dma_wait3A_374 = tpu.memref_squeeze %dma_wait3A_373 : memref<1x200x64xf32, #tpu.memory_space<hbm>> -> memref<200x64xf32, #tpu.memory_space<hbm>>
        tpu.wait_dma2 semaphore(%arg23 : memref<!tpu.dma_semaphore, #tpu.memory_space<semaphore_mem>>) src(%arg7 : memref<200x64xf32, #tpu.memory_space<vmem>>) dst(%dma_wait3A_374 : memref<200x64xf32, #tpu.memory_space<hbm>>)
        %add3A_375 = arith.constant 8 : i32
        %add3A_376 = arith.addi %add3A_159, %add3A_375 : i32
        %mul3A_377 = arith.constant 200 : i32
        %mul3A_378 = arith.muli %add3A_376, %mul3A_377 : i32
        %dma_start3A_379 = tpu.memref_slice %arg5[%mul3A_378] : memref<25600xi32, #tpu.memory_space<vmem>> -> memref<200xi32, #tpu.memory_space<vmem>>
        %dma_start3A_380 = arith.constant 0 : i32
        %dma_start3A_381 = arith.constant 0 : i32
        %dma_start3A_382 = tpu.memref_slice %arg3[%dma_start3A_380, %dma_start3A_381] : memref<1000000x64xf32, #tpu.memory_space<hbm>> -> memref<1000000x64xf32, #tpu.memory_space<hbm>>
        tpu.enqueue_indirect_dma source(%dma_start3A_382 : memref<1000000x64xf32, #tpu.memory_space<hbm>>) target(%arg7 : memref<200x64xf32, #tpu.memory_space<vmem>>) offsets(%dma_start3A_379 : memref<200xi32, #tpu.memory_space<vmem>>) semaphore(%arg15 : memref<!tpu.dma_semaphore, #tpu.memory_space<semaphore_mem>>)
      } else {
      }
      %mul3A_186 = arith.constant 8 : i32
      %mul3A_187 = arith.muli %scan3A_128, %mul3A_186 : i32
      %add3A_188 = arith.constant 2 : i32
      %add3A_189 = arith.addi %mul3A_187, %add3A_188 : i32
      %mul3A_190 = arith.constant 200 : i32
      %mul3A_191 = arith.muli %add3A_189, %mul3A_190 : i32
      %dma_wait3A_192 = tpu.memref_slice %arg5[%mul3A_191] : memref<25600xi32, #tpu.memory_space<vmem>> -> memref<200xi32, #tpu.memory_space<vmem>>
      %dma_wait3A_193 = arith.constant 0 : i32
      %dma_wait3A_194 = arith.constant 0 : i32
      %dma_wait3A_195 = tpu.memref_slice %arg3[%dma_wait3A_193, %dma_wait3A_194] : memref<1000000x64xf32, #tpu.memory_space<hbm>> -> memref<1000000x64xf32, #tpu.memory_space<hbm>>
      tpu.wait_indirect_dma semaphore(%arg16 : memref<!tpu.dma_semaphore, #tpu.memory_space<semaphore_mem>>) src(%dma_wait3A_195 : memref<1000000x64xf32, #tpu.memory_space<hbm>>) dst(%arg8 : memref<200x64xf32, #tpu.memory_space<vmem>>)
      %add3A_196 = arith.addi %mul3A_4, %add3A_189 : i32
      %dma_start3A_197 = arith.constant 0 : i32
      %dma_start3A_198 = arith.constant 0 : i32
      %dma_start3A_199 = tpu.memref_slice %arg4[%add3A_196, %dma_start3A_197, %dma_start3A_198] : memref<4096x200x128xf32, #tpu.memory_space<hbm>> -> memref<1x200x64xf32, #tpu.memory_space<hbm>>
      %dma_start3A_200 = tpu.memref_squeeze %dma_start3A_199 : memref<1x200x64xf32, #tpu.memory_space<hbm>> -> memref<200x64xf32, #tpu.memory_space<hbm>>
      %dma_start3A_201 = arith.constant 0 : i32
      %dma_start3A_202 = arith.constant 0 : i32
      %dma_start3A_203 = tpu.memref_slice %arg4[%add3A_196, %dma_start3A_201, %dma_start3A_202] : memref<4096x200x128xf32, #tpu.memory_space<hbm>> -> memref<1x200x64xf32, #tpu.memory_space<hbm>>
      %dma_start3A_204 = tpu.memref_squeeze %dma_start3A_203 : memref<1x200x64xf32, #tpu.memory_space<hbm>> -> memref<200x64xf32, #tpu.memory_space<hbm>>
      tpu.enqueue_dma source(%arg8 : memref<200x64xf32, #tpu.memory_space<vmem>>) target(%dma_start3A_204 : memref<200x64xf32, #tpu.memory_space<hbm>>) target_semaphore(%arg24 : memref<!tpu.dma_semaphore, #tpu.memory_space<semaphore_mem>>)
      %mul3A_205 = arith.constant 8 : i32
      %mul3A_206 = arith.muli %scan3A_128, %mul3A_205 : i32
      %add3A_207 = arith.constant 2 : i32
      %add3A_208 = arith.addi %mul3A_206, %add3A_207 : i32
      %add3A_209 = arith.constant 8 : i32
      %add3A_210 = arith.addi %add3A_208, %add3A_209 : i32
      %lt3A_211 = arith.constant 128 : i32
      %lt3A_212 = arith.cmpi slt, %add3A_210, %lt3A_211 : i32
      %convert_element_type3A_213 = arith.extui %lt3A_212 : i1 to i32
      %cond3A_214 = arith.constant 0 : i32
      %cond3A_215 = arith.cmpi ne, %convert_element_type3A_213, %cond3A_214 : i32
      scf.if %cond3A_215 {
        %add3A_366 = arith.addi %mul3A_4, %add3A_189 : i32
        %dma_wait3A_367 = arith.constant 0 : i32
        %dma_wait3A_368 = arith.constant 0 : i32
        %dma_wait3A_369 = tpu.memref_slice %arg4[%add3A_366, %dma_wait3A_367, %dma_wait3A_368] : memref<4096x200x128xf32, #tpu.memory_space<hbm>> -> memref<1x200x64xf32, #tpu.memory_space<hbm>>
        %dma_wait3A_370 = tpu.memref_squeeze %dma_wait3A_369 : memref<1x200x64xf32, #tpu.memory_space<hbm>> -> memref<200x64xf32, #tpu.memory_space<hbm>>
        %dma_wait3A_371 = arith.constant 0 : i32
        %dma_wait3A_372 = arith.constant 0 : i32
        %dma_wait3A_373 = tpu.memref_slice %arg4[%add3A_366, %dma_wait3A_371, %dma_wait3A_372] : memref<4096x200x128xf32, #tpu.memory_space<hbm>> -> memref<1x200x64xf32, #tpu.memory_space<hbm>>
        %dma_wait3A_374 = tpu.memref_squeeze %dma_wait3A_373 : memref<1x200x64xf32, #tpu.memory_space<hbm>> -> memref<200x64xf32, #tpu.memory_space<hbm>>
        tpu.wait_dma2 semaphore(%arg24 : memref<!tpu.dma_semaphore, #tpu.memory_space<semaphore_mem>>) src(%arg8 : memref<200x64xf32, #tpu.memory_space<vmem>>) dst(%dma_wait3A_374 : memref<200x64xf32, #tpu.memory_space<hbm>>)
        %add3A_375 = arith.constant 8 : i32
        %add3A_376 = arith.addi %add3A_189, %add3A_375 : i32
        %mul3A_377 = arith.constant 200 : i32
        %mul3A_378 = arith.muli %add3A_376, %mul3A_377 : i32
        %dma_start3A_379 = tpu.memref_slice %arg5[%mul3A_378] : memref<25600xi32, #tpu.memory_space<vmem>> -> memref<200xi32, #tpu.memory_space<vmem>>
        %dma_start3A_380 = arith.constant 0 : i32
        %dma_start3A_381 = arith.constant 0 : i32
        %dma_start3A_382 = tpu.memref_slice %arg3[%dma_start3A_380, %dma_start3A_381] : memref<1000000x64xf32, #tpu.memory_space<hbm>> -> memref<1000000x64xf32, #tpu.memory_space<hbm>>
        tpu.enqueue_indirect_dma source(%dma_start3A_382 : memref<1000000x64xf32, #tpu.memory_space<hbm>>) target(%arg8 : memref<200x64xf32, #tpu.memory_space<vmem>>) offsets(%dma_start3A_379 : memref<200xi32, #tpu.memory_space<vmem>>) semaphore(%arg16 : memref<!tpu.dma_semaphore, #tpu.memory_space<semaphore_mem>>)
      } else {
      }
      %mul3A_216 = arith.constant 8 : i32
      %mul3A_217 = arith.muli %scan3A_128, %mul3A_216 : i32
      %add3A_218 = arith.constant 3 : i32
      %add3A_219 = arith.addi %mul3A_217, %add3A_218 : i32
      %mul3A_220 = arith.constant 200 : i32
      %mul3A_221 = arith.muli %add3A_219, %mul3A_220 : i32
      %dma_wait3A_222 = tpu.memref_slice %arg5[%mul3A_221] : memref<25600xi32, #tpu.memory_space<vmem>> -> memref<200xi32, #tpu.memory_space<vmem>>
      %dma_wait3A_223 = arith.constant 0 : i32
      %dma_wait3A_224 = arith.constant 0 : i32
      %dma_wait3A_225 = tpu.memref_slice %arg3[%dma_wait3A_223, %dma_wait3A_224] : memref<1000000x64xf32, #tpu.memory_space<hbm>> -> memref<1000000x64xf32, #tpu.memory_space<hbm>>
      tpu.wait_indirect_dma semaphore(%arg17 : memref<!tpu.dma_semaphore, #tpu.memory_space<semaphore_mem>>) src(%dma_wait3A_225 : memref<1000000x64xf32, #tpu.memory_space<hbm>>) dst(%arg9 : memref<200x64xf32, #tpu.memory_space<vmem>>)
      %add3A_226 = arith.addi %mul3A_4, %add3A_219 : i32
      %dma_start3A_227 = arith.constant 0 : i32
      %dma_start3A_228 = arith.constant 0 : i32
      %dma_start3A_229 = tpu.memref_slice %arg4[%add3A_226, %dma_start3A_227, %dma_start3A_228] : memref<4096x200x128xf32, #tpu.memory_space<hbm>> -> memref<1x200x64xf32, #tpu.memory_space<hbm>>
      %dma_start3A_230 = tpu.memref_squeeze %dma_start3A_229 : memref<1x200x64xf32, #tpu.memory_space<hbm>> -> memref<200x64xf32, #tpu.memory_space<hbm>>
      %dma_start3A_231 = arith.constant 0 : i32
      %dma_start3A_232 = arith.constant 0 : i32
      %dma_start3A_233 = tpu.memref_slice %arg4[%add3A_226, %dma_start3A_231, %dma_start3A_232] : memref<4096x200x128xf32, #tpu.memory_space<hbm>> -> memref<1x200x64xf32, #tpu.memory_space<hbm>>
      %dma_start3A_234 = tpu.memref_squeeze %dma_start3A_233 : memref<1x200x64xf32, #tpu.memory_space<hbm>> -> memref<200x64xf32, #tpu.memory_space<hbm>>
      tpu.enqueue_dma source(%arg9 : memref<200x64xf32, #tpu.memory_space<vmem>>) target(%dma_start3A_234 : memref<200x64xf32, #tpu.memory_space<hbm>>) target_semaphore(%arg25 : memref<!tpu.dma_semaphore, #tpu.memory_space<semaphore_mem>>)
      %mul3A_235 = arith.constant 8 : i32
      %mul3A_236 = arith.muli %scan3A_128, %mul3A_235 : i32
      %add3A_237 = arith.constant 3 : i32
      %add3A_238 = arith.addi %mul3A_236, %add3A_237 : i32
      %add3A_239 = arith.constant 8 : i32
      %add3A_240 = arith.addi %add3A_238, %add3A_239 : i32
      %lt3A_241 = arith.constant 128 : i32
      %lt3A_242 = arith.cmpi slt, %add3A_240, %lt3A_241 : i32
      %convert_element_type3A_243 = arith.extui %lt3A_242 : i1 to i32
      %cond3A_244 = arith.constant 0 : i32
      %cond3A_245 = arith.cmpi ne, %convert_element_type3A_243, %cond3A_244 : i32
      scf.if %cond3A_245 {
        %add3A_366 = arith.addi %mul3A_4, %add3A_219 : i32
        %dma_wait3A_367 = arith.constant 0 : i32
        %dma_wait3A_368 = arith.constant 0 : i32
        %dma_wait3A_369 = tpu.memref_slice %arg4[%add3A_366, %dma_wait3A_367, %dma_wait3A_368] : memref<4096x200x128xf32, #tpu.memory_space<hbm>> -> memref<1x200x64xf32, #tpu.memory_space<hbm>>
        %dma_wait3A_370 = tpu.memref_squeeze %dma_wait3A_369 : memref<1x200x64xf32, #tpu.memory_space<hbm>> -> memref<200x64xf32, #tpu.memory_space<hbm>>
        %dma_wait3A_371 = arith.constant 0 : i32
        %dma_wait3A_372 = arith.constant 0 : i32
        %dma_wait3A_373 = tpu.memref_slice %arg4[%add3A_366, %dma_wait3A_371, %dma_wait3A_372] : memref<4096x200x128xf32, #tpu.memory_space<hbm>> -> memref<1x200x64xf32, #tpu.memory_space<hbm>>
        %dma_wait3A_374 = tpu.memref_squeeze %dma_wait3A_373 : memref<1x200x64xf32, #tpu.memory_space<hbm>> -> memref<200x64xf32, #tpu.memory_space<hbm>>
        tpu.wait_dma2 semaphore(%arg25 : memref<!tpu.dma_semaphore, #tpu.memory_space<semaphore_mem>>) src(%arg9 : memref<200x64xf32, #tpu.memory_space<vmem>>) dst(%dma_wait3A_374 : memref<200x64xf32, #tpu.memory_space<hbm>>)
        %add3A_375 = arith.constant 8 : i32
        %add3A_376 = arith.addi %add3A_219, %add3A_375 : i32
        %mul3A_377 = arith.constant 200 : i32
        %mul3A_378 = arith.muli %add3A_376, %mul3A_377 : i32
        %dma_start3A_379 = tpu.memref_slice %arg5[%mul3A_378] : memref<25600xi32, #tpu.memory_space<vmem>> -> memref<200xi32, #tpu.memory_space<vmem>>
        %dma_start3A_380 = arith.constant 0 : i32
        %dma_start3A_381 = arith.constant 0 : i32
        %dma_start3A_382 = tpu.memref_slice %arg3[%dma_start3A_380, %dma_start3A_381] : memref<1000000x64xf32, #tpu.memory_space<hbm>> -> memref<1000000x64xf32, #tpu.memory_space<hbm>>
        tpu.enqueue_indirect_dma source(%dma_start3A_382 : memref<1000000x64xf32, #tpu.memory_space<hbm>>) target(%arg9 : memref<200x64xf32, #tpu.memory_space<vmem>>) offsets(%dma_start3A_379 : memref<200xi32, #tpu.memory_space<vmem>>) semaphore(%arg17 : memref<!tpu.dma_semaphore, #tpu.memory_space<semaphore_mem>>)
      } else {
      }
      %mul3A_246 = arith.constant 8 : i32
      %mul3A_247 = arith.muli %scan3A_128, %mul3A_246 : i32
      %add3A_248 = arith.constant 4 : i32
      %add3A_249 = arith.addi %mul3A_247, %add3A_248 : i32
      %mul3A_250 = arith.constant 200 : i32
      %mul3A_251 = arith.muli %add3A_249, %mul3A_250 : i32
      %dma_wait3A_252 = tpu.memref_slice %arg5[%mul3A_251] : memref<25600xi32, #tpu.memory_space<vmem>> -> memref<200xi32, #tpu.memory_space<vmem>>
      %dma_wait3A_253 = arith.constant 0 : i32
      %dma_wait3A_254 = arith.constant 0 : i32
      %dma_wait3A_255 = tpu.memref_slice %arg3[%dma_wait3A_253, %dma_wait3A_254] : memref<1000000x64xf32, #tpu.memory_space<hbm>> -> memref<1000000x64xf32, #tpu.memory_space<hbm>>
      tpu.wait_indirect_dma semaphore(%arg18 : memref<!tpu.dma_semaphore, #tpu.memory_space<semaphore_mem>>) src(%dma_wait3A_255 : memref<1000000x64xf32, #tpu.memory_space<hbm>>) dst(%arg10 : memref<200x64xf32, #tpu.memory_space<vmem>>)
      %add3A_256 = arith.addi %mul3A_4, %add3A_249 : i32
      %dma_start3A_257 = arith.constant 0 : i32
      %dma_start3A_258 = arith.constant 0 : i32
      %dma_start3A_259 = tpu.memref_slice %arg4[%add3A_256, %dma_start3A_257, %dma_start3A_258] : memref<4096x200x128xf32, #tpu.memory_space<hbm>> -> memref<1x200x64xf32, #tpu.memory_space<hbm>>
      %dma_start3A_260 = tpu.memref_squeeze %dma_start3A_259 : memref<1x200x64xf32, #tpu.memory_space<hbm>> -> memref<200x64xf32, #tpu.memory_space<hbm>>
      %dma_start3A_261 = arith.constant 0 : i32
      %dma_start3A_262 = arith.constant 0 : i32
      %dma_start3A_263 = tpu.memref_slice %arg4[%add3A_256, %dma_start3A_261, %dma_start3A_262] : memref<4096x200x128xf32, #tpu.memory_space<hbm>> -> memref<1x200x64xf32, #tpu.memory_space<hbm>>
      %dma_start3A_264 = tpu.memref_squeeze %dma_start3A_263 : memref<1x200x64xf32, #tpu.memory_space<hbm>> -> memref<200x64xf32, #tpu.memory_space<hbm>>
      tpu.enqueue_dma source(%arg10 : memref<200x64xf32, #tpu.memory_space<vmem>>) target(%dma_start3A_264 : memref<200x64xf32, #tpu.memory_space<hbm>>) target_semaphore(%arg26 : memref<!tpu.dma_semaphore, #tpu.memory_space<semaphore_mem>>)
      %mul3A_265 = arith.constant 8 : i32
      %mul3A_266 = arith.muli %scan3A_128, %mul3A_265 : i32
      %add3A_267 = arith.constant 4 : i32
      %add3A_268 = arith.addi %mul3A_266, %add3A_267 : i32
      %add3A_269 = arith.constant 8 : i32
      %add3A_270 = arith.addi %add3A_268, %add3A_269 : i32
      %lt3A_271 = arith.constant 128 : i32
      %lt3A_272 = arith.cmpi slt, %add3A_270, %lt3A_271 : i32
      %convert_element_type3A_273 = arith.extui %lt3A_272 : i1 to i32
      %cond3A_274 = arith.constant 0 : i32
      %cond3A_275 = arith.cmpi ne, %convert_element_type3A_273, %cond3A_274 : i32
      scf.if %cond3A_275 {
        %add3A_366 = arith.addi %mul3A_4, %add3A_249 : i32
        %dma_wait3A_367 = arith.constant 0 : i32
        %dma_wait3A_368 = arith.constant 0 : i32
        %dma_wait3A_369 = tpu.memref_slice %arg4[%add3A_366, %dma_wait3A_367, %dma_wait3A_368] : memref<4096x200x128xf32, #tpu.memory_space<hbm>> -> memref<1x200x64xf32, #tpu.memory_space<hbm>>
        %dma_wait3A_370 = tpu.memref_squeeze %dma_wait3A_369 : memref<1x200x64xf32, #tpu.memory_space<hbm>> -> memref<200x64xf32, #tpu.memory_space<hbm>>
        %dma_wait3A_371 = arith.constant 0 : i32
        %dma_wait3A_372 = arith.constant 0 : i32
        %dma_wait3A_373 = tpu.memref_slice %arg4[%add3A_366, %dma_wait3A_371, %dma_wait3A_372] : memref<4096x200x128xf32, #tpu.memory_space<hbm>> -> memref<1x200x64xf32, #tpu.memory_space<hbm>>
        %dma_wait3A_374 = tpu.memref_squeeze %dma_wait3A_373 : memref<1x200x64xf32, #tpu.memory_space<hbm>> -> memref<200x64xf32, #tpu.memory_space<hbm>>
        tpu.wait_dma2 semaphore(%arg26 : memref<!tpu.dma_semaphore, #tpu.memory_space<semaphore_mem>>) src(%arg10 : memref<200x64xf32, #tpu.memory_space<vmem>>) dst(%dma_wait3A_374 : memref<200x64xf32, #tpu.memory_space<hbm>>)
        %add3A_375 = arith.constant 8 : i32
        %add3A_376 = arith.addi %add3A_249, %add3A_375 : i32
        %mul3A_377 = arith.constant 200 : i32
        %mul3A_378 = arith.muli %add3A_376, %mul3A_377 : i32
        %dma_start3A_379 = tpu.memref_slice %arg5[%mul3A_378] : memref<25600xi32, #tpu.memory_space<vmem>> -> memref<200xi32, #tpu.memory_space<vmem>>
        %dma_start3A_380 = arith.constant 0 : i32
        %dma_start3A_381 = arith.constant 0 : i32
        %dma_start3A_382 = tpu.memref_slice %arg3[%dma_start3A_380, %dma_start3A_381] : memref<1000000x64xf32, #tpu.memory_space<hbm>> -> memref<1000000x64xf32, #tpu.memory_space<hbm>>
        tpu.enqueue_indirect_dma source(%dma_start3A_382 : memref<1000000x64xf32, #tpu.memory_space<hbm>>) target(%arg10 : memref<200x64xf32, #tpu.memory_space<vmem>>) offsets(%dma_start3A_379 : memref<200xi32, #tpu.memory_space<vmem>>) semaphore(%arg18 : memref<!tpu.dma_semaphore, #tpu.memory_space<semaphore_mem>>)
      } else {
      }
      %mul3A_276 = arith.constant 8 : i32
      %mul3A_277 = arith.muli %scan3A_128, %mul3A_276 : i32
      %add3A_278 = arith.constant 5 : i32
      %add3A_279 = arith.addi %mul3A_277, %add3A_278 : i32
      %mul3A_280 = arith.constant 200 : i32
      %mul3A_281 = arith.muli %add3A_279, %mul3A_280 : i32
      %dma_wait3A_282 = tpu.memref_slice %arg5[%mul3A_281] : memref<25600xi32, #tpu.memory_space<vmem>> -> memref<200xi32, #tpu.memory_space<vmem>>
      %dma_wait3A_283 = arith.constant 0 : i32
      %dma_wait3A_284 = arith.constant 0 : i32
      %dma_wait3A_285 = tpu.memref_slice %arg3[%dma_wait3A_283, %dma_wait3A_284] : memref<1000000x64xf32, #tpu.memory_space<hbm>> -> memref<1000000x64xf32, #tpu.memory_space<hbm>>
      tpu.wait_indirect_dma semaphore(%arg19 : memref<!tpu.dma_semaphore, #tpu.memory_space<semaphore_mem>>) src(%dma_wait3A_285 : memref<1000000x64xf32, #tpu.memory_space<hbm>>) dst(%arg11 : memref<200x64xf32, #tpu.memory_space<vmem>>)
      %add3A_286 = arith.addi %mul3A_4, %add3A_279 : i32
      %dma_start3A_287 = arith.constant 0 : i32
      %dma_start3A_288 = arith.constant 0 : i32
      %dma_start3A_289 = tpu.memref_slice %arg4[%add3A_286, %dma_start3A_287, %dma_start3A_288] : memref<4096x200x128xf32, #tpu.memory_space<hbm>> -> memref<1x200x64xf32, #tpu.memory_space<hbm>>
      %dma_start3A_290 = tpu.memref_squeeze %dma_start3A_289 : memref<1x200x64xf32, #tpu.memory_space<hbm>> -> memref<200x64xf32, #tpu.memory_space<hbm>>
      %dma_start3A_291 = arith.constant 0 : i32
      %dma_start3A_292 = arith.constant 0 : i32
      %dma_start3A_293 = tpu.memref_slice %arg4[%add3A_286, %dma_start3A_291, %dma_start3A_292] : memref<4096x200x128xf32, #tpu.memory_space<hbm>> -> memref<1x200x64xf32, #tpu.memory_space<hbm>>
      %dma_start3A_294 = tpu.memref_squeeze %dma_start3A_293 : memref<1x200x64xf32, #tpu.memory_space<hbm>> -> memref<200x64xf32, #tpu.memory_space<hbm>>
      tpu.enqueue_dma source(%arg11 : memref<200x64xf32, #tpu.memory_space<vmem>>) target(%dma_start3A_294 : memref<200x64xf32, #tpu.memory_space<hbm>>) target_semaphore(%arg27 : memref<!tpu.dma_semaphore, #tpu.memory_space<semaphore_mem>>)
      %mul3A_295 = arith.constant 8 : i32
      %mul3A_296 = arith.muli %scan3A_128, %mul3A_295 : i32
      %add3A_297 = arith.constant 5 : i32
      %add3A_298 = arith.addi %mul3A_296, %add3A_297 : i32
      %add3A_299 = arith.constant 8 : i32
      %add3A_300 = arith.addi %add3A_298, %add3A_299 : i32
      %lt3A_301 = arith.constant 128 : i32
      %lt3A_302 = arith.cmpi slt, %add3A_300, %lt3A_301 : i32
      %convert_element_type3A_303 = arith.extui %lt3A_302 : i1 to i32
      %cond3A_304 = arith.constant 0 : i32
      %cond3A_305 = arith.cmpi ne, %convert_element_type3A_303, %cond3A_304 : i32
      scf.if %cond3A_305 {
        %add3A_366 = arith.addi %mul3A_4, %add3A_279 : i32
        %dma_wait3A_367 = arith.constant 0 : i32
        %dma_wait3A_368 = arith.constant 0 : i32
        %dma_wait3A_369 = tpu.memref_slice %arg4[%add3A_366, %dma_wait3A_367, %dma_wait3A_368] : memref<4096x200x128xf32, #tpu.memory_space<hbm>> -> memref<1x200x64xf32, #tpu.memory_space<hbm>>
        %dma_wait3A_370 = tpu.memref_squeeze %dma_wait3A_369 : memref<1x200x64xf32, #tpu.memory_space<hbm>> -> memref<200x64xf32, #tpu.memory_space<hbm>>
        %dma_wait3A_371 = arith.constant 0 : i32
        %dma_wait3A_372 = arith.constant 0 : i32
        %dma_wait3A_373 = tpu.memref_slice %arg4[%add3A_366, %dma_wait3A_371, %dma_wait3A_372] : memref<4096x200x128xf32, #tpu.memory_space<hbm>> -> memref<1x200x64xf32, #tpu.memory_space<hbm>>
        %dma_wait3A_374 = tpu.memref_squeeze %dma_wait3A_373 : memref<1x200x64xf32, #tpu.memory_space<hbm>> -> memref<200x64xf32, #tpu.memory_space<hbm>>
        tpu.wait_dma2 semaphore(%arg27 : memref<!tpu.dma_semaphore, #tpu.memory_space<semaphore_mem>>) src(%arg11 : memref<200x64xf32, #tpu.memory_space<vmem>>) dst(%dma_wait3A_374 : memref<200x64xf32, #tpu.memory_space<hbm>>)
        %add3A_375 = arith.constant 8 : i32
        %add3A_376 = arith.addi %add3A_279, %add3A_375 : i32
        %mul3A_377 = arith.constant 200 : i32
        %mul3A_378 = arith.muli %add3A_376, %mul3A_377 : i32
        %dma_start3A_379 = tpu.memref_slice %arg5[%mul3A_378] : memref<25600xi32, #tpu.memory_space<vmem>> -> memref<200xi32, #tpu.memory_space<vmem>>
        %dma_start3A_380 = arith.constant 0 : i32
        %dma_start3A_381 = arith.constant 0 : i32
        %dma_start3A_382 = tpu.memref_slice %arg3[%dma_start3A_380, %dma_start3A_381] : memref<1000000x64xf32, #tpu.memory_space<hbm>> -> memref<1000000x64xf32, #tpu.memory_space<hbm>>
        tpu.enqueue_indirect_dma source(%dma_start3A_382 : memref<1000000x64xf32, #tpu.memory_space<hbm>>) target(%arg11 : memref<200x64xf32, #tpu.memory_space<vmem>>) offsets(%dma_start3A_379 : memref<200xi32, #tpu.memory_space<vmem>>) semaphore(%arg19 : memref<!tpu.dma_semaphore, #tpu.memory_space<semaphore_mem>>)
      } else {
      }
      %mul3A_306 = arith.constant 8 : i32
      %mul3A_307 = arith.muli %scan3A_128, %mul3A_306 : i32
      %add3A_308 = arith.constant 6 : i32
      %add3A_309 = arith.addi %mul3A_307, %add3A_308 : i32
      %mul3A_310 = arith.constant 200 : i32
      %mul3A_311 = arith.muli %add3A_309, %mul3A_310 : i32
      %dma_wait3A_312 = tpu.memref_slice %arg5[%mul3A_311] : memref<25600xi32, #tpu.memory_space<vmem>> -> memref<200xi32, #tpu.memory_space<vmem>>
      %dma_wait3A_313 = arith.constant 0 : i32
      %dma_wait3A_314 = arith.constant 0 : i32
      %dma_wait3A_315 = tpu.memref_slice %arg3[%dma_wait3A_313, %dma_wait3A_314] : memref<1000000x64xf32, #tpu.memory_space<hbm>> -> memref<1000000x64xf32, #tpu.memory_space<hbm>>
      tpu.wait_indirect_dma semaphore(%arg20 : memref<!tpu.dma_semaphore, #tpu.memory_space<semaphore_mem>>) src(%dma_wait3A_315 : memref<1000000x64xf32, #tpu.memory_space<hbm>>) dst(%arg12 : memref<200x64xf32, #tpu.memory_space<vmem>>)
      %add3A_316 = arith.addi %mul3A_4, %add3A_309 : i32
      %dma_start3A_317 = arith.constant 0 : i32
      %dma_start3A_318 = arith.constant 0 : i32
      %dma_start3A_319 = tpu.memref_slice %arg4[%add3A_316, %dma_start3A_317, %dma_start3A_318] : memref<4096x200x128xf32, #tpu.memory_space<hbm>> -> memref<1x200x64xf32, #tpu.memory_space<hbm>>
      %dma_start3A_320 = tpu.memref_squeeze %dma_start3A_319 : memref<1x200x64xf32, #tpu.memory_space<hbm>> -> memref<200x64xf32, #tpu.memory_space<hbm>>
      %dma_start3A_321 = arith.constant 0 : i32
      %dma_start3A_322 = arith.constant 0 : i32
      %dma_start3A_323 = tpu.memref_slice %arg4[%add3A_316, %dma_start3A_321, %dma_start3A_322] : memref<4096x200x128xf32, #tpu.memory_space<hbm>> -> memref<1x200x64xf32, #tpu.memory_space<hbm>>
      %dma_start3A_324 = tpu.memref_squeeze %dma_start3A_323 : memref<1x200x64xf32, #tpu.memory_space<hbm>> -> memref<200x64xf32, #tpu.memory_space<hbm>>
      tpu.enqueue_dma source(%arg12 : memref<200x64xf32, #tpu.memory_space<vmem>>) target(%dma_start3A_324 : memref<200x64xf32, #tpu.memory_space<hbm>>) target_semaphore(%arg28 : memref<!tpu.dma_semaphore, #tpu.memory_space<semaphore_mem>>)
      %mul3A_325 = arith.constant 8 : i32
      %mul3A_326 = arith.muli %scan3A_128, %mul3A_325 : i32
      %add3A_327 = arith.constant 6 : i32
      %add3A_328 = arith.addi %mul3A_326, %add3A_327 : i32
      %add3A_329 = arith.constant 8 : i32
      %add3A_330 = arith.addi %add3A_328, %add3A_329 : i32
      %lt3A_331 = arith.constant 128 : i32
      %lt3A_332 = arith.cmpi slt, %add3A_330, %lt3A_331 : i32
      %convert_element_type3A_333 = arith.extui %lt3A_332 : i1 to i32
      %cond3A_334 = arith.constant 0 : i32
      %cond3A_335 = arith.cmpi ne, %convert_element_type3A_333, %cond3A_334 : i32
      scf.if %cond3A_335 {
        %add3A_366 = arith.addi %mul3A_4, %add3A_309 : i32
        %dma_wait3A_367 = arith.constant 0 : i32
        %dma_wait3A_368 = arith.constant 0 : i32
        %dma_wait3A_369 = tpu.memref_slice %arg4[%add3A_366, %dma_wait3A_367, %dma_wait3A_368] : memref<4096x200x128xf32, #tpu.memory_space<hbm>> -> memref<1x200x64xf32, #tpu.memory_space<hbm>>
        %dma_wait3A_370 = tpu.memref_squeeze %dma_wait3A_369 : memref<1x200x64xf32, #tpu.memory_space<hbm>> -> memref<200x64xf32, #tpu.memory_space<hbm>>
        %dma_wait3A_371 = arith.constant 0 : i32
        %dma_wait3A_372 = arith.constant 0 : i32
        %dma_wait3A_373 = tpu.memref_slice %arg4[%add3A_366, %dma_wait3A_371, %dma_wait3A_372] : memref<4096x200x128xf32, #tpu.memory_space<hbm>> -> memref<1x200x64xf32, #tpu.memory_space<hbm>>
        %dma_wait3A_374 = tpu.memref_squeeze %dma_wait3A_373 : memref<1x200x64xf32, #tpu.memory_space<hbm>> -> memref<200x64xf32, #tpu.memory_space<hbm>>
        tpu.wait_dma2 semaphore(%arg28 : memref<!tpu.dma_semaphore, #tpu.memory_space<semaphore_mem>>) src(%arg12 : memref<200x64xf32, #tpu.memory_space<vmem>>) dst(%dma_wait3A_374 : memref<200x64xf32, #tpu.memory_space<hbm>>)
        %add3A_375 = arith.constant 8 : i32
        %add3A_376 = arith.addi %add3A_309, %add3A_375 : i32
        %mul3A_377 = arith.constant 200 : i32
        %mul3A_378 = arith.muli %add3A_376, %mul3A_377 : i32
        %dma_start3A_379 = tpu.memref_slice %arg5[%mul3A_378] : memref<25600xi32, #tpu.memory_space<vmem>> -> memref<200xi32, #tpu.memory_space<vmem>>
        %dma_start3A_380 = arith.constant 0 : i32
        %dma_start3A_381 = arith.constant 0 : i32
        %dma_start3A_382 = tpu.memref_slice %arg3[%dma_start3A_380, %dma_start3A_381] : memref<1000000x64xf32, #tpu.memory_space<hbm>> -> memref<1000000x64xf32, #tpu.memory_space<hbm>>
        tpu.enqueue_indirect_dma source(%dma_start3A_382 : memref<1000000x64xf32, #tpu.memory_space<hbm>>) target(%arg12 : memref<200x64xf32, #tpu.memory_space<vmem>>) offsets(%dma_start3A_379 : memref<200xi32, #tpu.memory_space<vmem>>) semaphore(%arg20 : memref<!tpu.dma_semaphore, #tpu.memory_space<semaphore_mem>>)
      } else {
      }
      %mul3A_336 = arith.constant 8 : i32
      %mul3A_337 = arith.muli %scan3A_128, %mul3A_336 : i32
      %add3A_338 = arith.constant 7 : i32
      %add3A_339 = arith.addi %mul3A_337, %add3A_338 : i32
      %mul3A_340 = arith.constant 200 : i32
      %mul3A_341 = arith.muli %add3A_339, %mul3A_340 : i32
      %dma_wait3A_342 = tpu.memref_slice %arg5[%mul3A_341] : memref<25600xi32, #tpu.memory_space<vmem>> -> memref<200xi32, #tpu.memory_space<vmem>>
      %dma_wait3A_343 = arith.constant 0 : i32
      %dma_wait3A_344 = arith.constant 0 : i32
      %dma_wait3A_345 = tpu.memref_slice %arg3[%dma_wait3A_343, %dma_wait3A_344] : memref<1000000x64xf32, #tpu.memory_space<hbm>> -> memref<1000000x64xf32, #tpu.memory_space<hbm>>
      tpu.wait_indirect_dma semaphore(%arg21 : memref<!tpu.dma_semaphore, #tpu.memory_space<semaphore_mem>>) src(%dma_wait3A_345 : memref<1000000x64xf32, #tpu.memory_space<hbm>>) dst(%arg13 : memref<200x64xf32, #tpu.memory_space<vmem>>)
      %add3A_346 = arith.addi %mul3A_4, %add3A_339 : i32
      %dma_start3A_347 = arith.constant 0 : i32
      %dma_start3A_348 = arith.constant 0 : i32
      %dma_start3A_349 = tpu.memref_slice %arg4[%add3A_346, %dma_start3A_347, %dma_start3A_348] : memref<4096x200x128xf32, #tpu.memory_space<hbm>> -> memref<1x200x64xf32, #tpu.memory_space<hbm>>
      %dma_start3A_350 = tpu.memref_squeeze %dma_start3A_349 : memref<1x200x64xf32, #tpu.memory_space<hbm>> -> memref<200x64xf32, #tpu.memory_space<hbm>>
      %dma_start3A_351 = arith.constant 0 : i32
      %dma_start3A_352 = arith.constant 0 : i32
      %dma_start3A_353 = tpu.memref_slice %arg4[%add3A_346, %dma_start3A_351, %dma_start3A_352] : memref<4096x200x128xf32, #tpu.memory_space<hbm>> -> memref<1x200x64xf32, #tpu.memory_space<hbm>>
      %dma_start3A_354 = tpu.memref_squeeze %dma_start3A_353 : memref<1x200x64xf32, #tpu.memory_space<hbm>> -> memref<200x64xf32, #tpu.memory_space<hbm>>
      tpu.enqueue_dma source(%arg13 : memref<200x64xf32, #tpu.memory_space<vmem>>) target(%dma_start3A_354 : memref<200x64xf32, #tpu.memory_space<hbm>>) target_semaphore(%arg29 : memref<!tpu.dma_semaphore, #tpu.memory_space<semaphore_mem>>)
      %mul3A_355 = arith.constant 8 : i32
      %mul3A_356 = arith.muli %scan3A_128, %mul3A_355 : i32
      %add3A_357 = arith.constant 7 : i32
      %add3A_358 = arith.addi %mul3A_356, %add3A_357 : i32
      %add3A_359 = arith.constant 8 : i32
      %add3A_360 = arith.addi %add3A_358, %add3A_359 : i32
      %lt3A_361 = arith.constant 128 : i32
      %lt3A_362 = arith.cmpi slt, %add3A_360, %lt3A_361 : i32
      %convert_element_type3A_363 = arith.extui %lt3A_362 : i1 to i32
      %cond3A_364 = arith.constant 0 : i32
      %cond3A_365 = arith.cmpi ne, %convert_element_type3A_363, %cond3A_364 : i32
      scf.if %cond3A_365 {
        %add3A_366 = arith.addi %mul3A_4, %add3A_339 : i32
        %dma_wait3A_367 = arith.constant 0 : i32
        %dma_wait3A_368 = arith.constant 0 : i32
        %dma_wait3A_369 = tpu.memref_slice %arg4[%add3A_366, %dma_wait3A_367, %dma_wait3A_368] : memref<4096x200x128xf32, #tpu.memory_space<hbm>> -> memref<1x200x64xf32, #tpu.memory_space<hbm>>
        %dma_wait3A_370 = tpu.memref_squeeze %dma_wait3A_369 : memref<1x200x64xf32, #tpu.memory_space<hbm>> -> memref<200x64xf32, #tpu.memory_space<hbm>>
        %dma_wait3A_371 = arith.constant 0 : i32
        %dma_wait3A_372 = arith.constant 0 : i32
        %dma_wait3A_373 = tpu.memref_slice %arg4[%add3A_366, %dma_wait3A_371, %dma_wait3A_372] : memref<4096x200x128xf32, #tpu.memory_space<hbm>> -> memref<1x200x64xf32, #tpu.memory_space<hbm>>
        %dma_wait3A_374 = tpu.memref_squeeze %dma_wait3A_373 : memref<1x200x64xf32, #tpu.memory_space<hbm>> -> memref<200x64xf32, #tpu.memory_space<hbm>>
        tpu.wait_dma2 semaphore(%arg29 : memref<!tpu.dma_semaphore, #tpu.memory_space<semaphore_mem>>) src(%arg13 : memref<200x64xf32, #tpu.memory_space<vmem>>) dst(%dma_wait3A_374 : memref<200x64xf32, #tpu.memory_space<hbm>>)
        %add3A_375 = arith.constant 8 : i32
        %add3A_376 = arith.addi %add3A_339, %add3A_375 : i32
        %mul3A_377 = arith.constant 200 : i32
        %mul3A_378 = arith.muli %add3A_376, %mul3A_377 : i32
        %dma_start3A_379 = tpu.memref_slice %arg5[%mul3A_378] : memref<25600xi32, #tpu.memory_space<vmem>> -> memref<200xi32, #tpu.memory_space<vmem>>
        %dma_start3A_380 = arith.constant 0 : i32
        %dma_start3A_381 = arith.constant 0 : i32
        %dma_start3A_382 = tpu.memref_slice %arg3[%dma_start3A_380, %dma_start3A_381] : memref<1000000x64xf32, #tpu.memory_space<hbm>> -> memref<1000000x64xf32, #tpu.memory_space<hbm>>
        tpu.enqueue_indirect_dma source(%dma_start3A_382 : memref<1000000x64xf32, #tpu.memory_space<hbm>>) target(%arg13 : memref<200x64xf32, #tpu.memory_space<vmem>>) offsets(%dma_start3A_379 : memref<200xi32, #tpu.memory_space<vmem>>) semaphore(%arg21 : memref<!tpu.dma_semaphore, #tpu.memory_space<semaphore_mem>>)
      } else {
      }
    }
    %scan3A_48 = arith.constant 16 : i32
    %add3A_49 = arith.constant 120 : i32
    %add3A_50 = arith.addi %mul3A_4, %add3A_49 : i32
    %dma_wait3A = arith.constant 0 : i32
    %dma_wait3A_51 = arith.constant 0 : i32
    %dma_wait3A_52 = tpu.memref_slice %arg4[%add3A_50, %dma_wait3A, %dma_wait3A_51] : memref<4096x200x128xf32, #tpu.memory_space<hbm>> -> memref<1x200x64xf32, #tpu.memory_space<hbm>>
    %dma_wait3A_53 = tpu.memref_squeeze %dma_wait3A_52 : memref<1x200x64xf32, #tpu.memory_space<hbm>> -> memref<200x64xf32, #tpu.memory_space<hbm>>
    %dma_wait3A_54 = arith.constant 0 : i32
    %dma_wait3A_55 = arith.constant 0 : i32
    %dma_wait3A_56 = tpu.memref_slice %arg4[%add3A_50, %dma_wait3A_54, %dma_wait3A_55] : memref<4096x200x128xf32, #tpu.memory_space<hbm>> -> memref<1x200x64xf32, #tpu.memory_space<hbm>>
    %dma_wait3A_57 = tpu.memref_squeeze %dma_wait3A_56 : memref<1x200x64xf32, #tpu.memory_space<hbm>> -> memref<200x64xf32, #tpu.memory_space<hbm>>
    tpu.wait_dma2 semaphore(%arg22 : memref<!tpu.dma_semaphore, #tpu.memory_space<semaphore_mem>>) src(%arg6 : memref<200x64xf32, #tpu.memory_space<vmem>>) dst(%dma_wait3A_57 : memref<200x64xf32, #tpu.memory_space<hbm>>)
    %add3A_58 = arith.constant 121 : i32
    %add3A_59 = arith.addi %mul3A_4, %add3A_58 : i32
    %dma_wait3A_60 = arith.constant 0 : i32
    %dma_wait3A_61 = arith.constant 0 : i32
    %dma_wait3A_62 = tpu.memref_slice %arg4[%add3A_59, %dma_wait3A_60, %dma_wait3A_61] : memref<4096x200x128xf32, #tpu.memory_space<hbm>> -> memref<1x200x64xf32, #tpu.memory_space<hbm>>
    %dma_wait3A_63 = tpu.memref_squeeze %dma_wait3A_62 : memref<1x200x64xf32, #tpu.memory_space<hbm>> -> memref<200x64xf32, #tpu.memory_space<hbm>>
    %dma_wait3A_64 = arith.constant 0 : i32
    %dma_wait3A_65 = arith.constant 0 : i32
    %dma_wait3A_66 = tpu.memref_slice %arg4[%add3A_59, %dma_wait3A_64, %dma_wait3A_65] : memref<4096x200x128xf32, #tpu.memory_space<hbm>> -> memref<1x200x64xf32, #tpu.memory_space<hbm>>
    %dma_wait3A_67 = tpu.memref_squeeze %dma_wait3A_66 : memref<1x200x64xf32, #tpu.memory_space<hbm>> -> memref<200x64xf32, #tpu.memory_space<hbm>>
    tpu.wait_dma2 semaphore(%arg23 : memref<!tpu.dma_semaphore, #tpu.memory_space<semaphore_mem>>) src(%arg7 : memref<200x64xf32, #tpu.memory_space<vmem>>) dst(%dma_wait3A_67 : memref<200x64xf32, #tpu.memory_space<hbm>>)
    %add3A_68 = arith.constant 122 : i32
    %add3A_69 = arith.addi %mul3A_4, %add3A_68 : i32
    %dma_wait3A_70 = arith.constant 0 : i32
    %dma_wait3A_71 = arith.constant 0 : i32
    %dma_wait3A_72 = tpu.memref_slice %arg4[%add3A_69, %dma_wait3A_70, %dma_wait3A_71] : memref<4096x200x128xf32, #tpu.memory_space<hbm>> -> memref<1x200x64xf32, #tpu.memory_space<hbm>>
    %dma_wait3A_73 = tpu.memref_squeeze %dma_wait3A_72 : memref<1x200x64xf32, #tpu.memory_space<hbm>> -> memref<200x64xf32, #tpu.memory_space<hbm>>
    %dma_wait3A_74 = arith.constant 0 : i32
    %dma_wait3A_75 = arith.constant 0 : i32
    %dma_wait3A_76 = tpu.memref_slice %arg4[%add3A_69, %dma_wait3A_74, %dma_wait3A_75] : memref<4096x200x128xf32, #tpu.memory_space<hbm>> -> memref<1x200x64xf32, #tpu.memory_space<hbm>>
    %dma_wait3A_77 = tpu.memref_squeeze %dma_wait3A_76 : memref<1x200x64xf32, #tpu.memory_space<hbm>> -> memref<200x64xf32, #tpu.memory_space<hbm>>
    tpu.wait_dma2 semaphore(%arg24 : memref<!tpu.dma_semaphore, #tpu.memory_space<semaphore_mem>>) src(%arg8 : memref<200x64xf32, #tpu.memory_space<vmem>>) dst(%dma_wait3A_77 : memref<200x64xf32, #tpu.memory_space<hbm>>)
    %add3A_78 = arith.constant 123 : i32
    %add3A_79 = arith.addi %mul3A_4, %add3A_78 : i32
    %dma_wait3A_80 = arith.constant 0 : i32
    %dma_wait3A_81 = arith.constant 0 : i32
    %dma_wait3A_82 = tpu.memref_slice %arg4[%add3A_79, %dma_wait3A_80, %dma_wait3A_81] : memref<4096x200x128xf32, #tpu.memory_space<hbm>> -> memref<1x200x64xf32, #tpu.memory_space<hbm>>
    %dma_wait3A_83 = tpu.memref_squeeze %dma_wait3A_82 : memref<1x200x64xf32, #tpu.memory_space<hbm>> -> memref<200x64xf32, #tpu.memory_space<hbm>>
    %dma_wait3A_84 = arith.constant 0 : i32
    %dma_wait3A_85 = arith.constant 0 : i32
    %dma_wait3A_86 = tpu.memref_slice %arg4[%add3A_79, %dma_wait3A_84, %dma_wait3A_85] : memref<4096x200x128xf32, #tpu.memory_space<hbm>> -> memref<1x200x64xf32, #tpu.memory_space<hbm>>
    %dma_wait3A_87 = tpu.memref_squeeze %dma_wait3A_86 : memref<1x200x64xf32, #tpu.memory_space<hbm>> -> memref<200x64xf32, #tpu.memory_space<hbm>>
    tpu.wait_dma2 semaphore(%arg25 : memref<!tpu.dma_semaphore, #tpu.memory_space<semaphore_mem>>) src(%arg9 : memref<200x64xf32, #tpu.memory_space<vmem>>) dst(%dma_wait3A_87 : memref<200x64xf32, #tpu.memory_space<hbm>>)
    %add3A_88 = arith.constant 124 : i32
    %add3A_89 = arith.addi %mul3A_4, %add3A_88 : i32
    %dma_wait3A_90 = arith.constant 0 : i32
    %dma_wait3A_91 = arith.constant 0 : i32
    %dma_wait3A_92 = tpu.memref_slice %arg4[%add3A_89, %dma_wait3A_90, %dma_wait3A_91] : memref<4096x200x128xf32, #tpu.memory_space<hbm>> -> memref<1x200x64xf32, #tpu.memory_space<hbm>>
    %dma_wait3A_93 = tpu.memref_squeeze %dma_wait3A_92 : memref<1x200x64xf32, #tpu.memory_space<hbm>> -> memref<200x64xf32, #tpu.memory_space<hbm>>
    %dma_wait3A_94 = arith.constant 0 : i32
    %dma_wait3A_95 = arith.constant 0 : i32
    %dma_wait3A_96 = tpu.memref_slice %arg4[%add3A_89, %dma_wait3A_94, %dma_wait3A_95] : memref<4096x200x128xf32, #tpu.memory_space<hbm>> -> memref<1x200x64xf32, #tpu.memory_space<hbm>>
    %dma_wait3A_97 = tpu.memref_squeeze %dma_wait3A_96 : memref<1x200x64xf32, #tpu.memory_space<hbm>> -> memref<200x64xf32, #tpu.memory_space<hbm>>
    tpu.wait_dma2 semaphore(%arg26 : memref<!tpu.dma_semaphore, #tpu.memory_space<semaphore_mem>>) src(%arg10 : memref<200x64xf32, #tpu.memory_space<vmem>>) dst(%dma_wait3A_97 : memref<200x64xf32, #tpu.memory_space<hbm>>)
    %add3A_98 = arith.constant 125 : i32
    %add3A_99 = arith.addi %mul3A_4, %add3A_98 : i32
    %dma_wait3A_100 = arith.constant 0 : i32
    %dma_wait3A_101 = arith.constant 0 : i32
    %dma_wait3A_102 = tpu.memref_slice %arg4[%add3A_99, %dma_wait3A_100, %dma_wait3A_101] : memref<4096x200x128xf32, #tpu.memory_space<hbm>> -> memref<1x200x64xf32, #tpu.memory_space<hbm>>
    %dma_wait3A_103 = tpu.memref_squeeze %dma_wait3A_102 : memref<1x200x64xf32, #tpu.memory_space<hbm>> -> memref<200x64xf32, #tpu.memory_space<hbm>>
    %dma_wait3A_104 = arith.constant 0 : i32
    %dma_wait3A_105 = arith.constant 0 : i32
    %dma_wait3A_106 = tpu.memref_slice %arg4[%add3A_99, %dma_wait3A_104, %dma_wait3A_105] : memref<4096x200x128xf32, #tpu.memory_space<hbm>> -> memref<1x200x64xf32, #tpu.memory_space<hbm>>
    %dma_wait3A_107 = tpu.memref_squeeze %dma_wait3A_106 : memref<1x200x64xf32, #tpu.memory_space<hbm>> -> memref<200x64xf32, #tpu.memory_space<hbm>>
    tpu.wait_dma2 semaphore(%arg27 : memref<!tpu.dma_semaphore, #tpu.memory_space<semaphore_mem>>) src(%arg11 : memref<200x64xf32, #tpu.memory_space<vmem>>) dst(%dma_wait3A_107 : memref<200x64xf32, #tpu.memory_space<hbm>>)
    %add3A_108 = arith.constant 126 : i32
    %add3A_109 = arith.addi %mul3A_4, %add3A_108 : i32
    %dma_wait3A_110 = arith.constant 0 : i32
    %dma_wait3A_111 = arith.constant 0 : i32
    %dma_wait3A_112 = tpu.memref_slice %arg4[%add3A_109, %dma_wait3A_110, %dma_wait3A_111] : memref<4096x200x128xf32, #tpu.memory_space<hbm>> -> memref<1x200x64xf32, #tpu.memory_space<hbm>>
    %dma_wait3A_113 = tpu.memref_squeeze %dma_wait3A_112 : memref<1x200x64xf32, #tpu.memory_space<hbm>> -> memref<200x64xf32, #tpu.memory_space<hbm>>
    %dma_wait3A_114 = arith.constant 0 : i32
    %dma_wait3A_115 = arith.constant 0 : i32
    %dma_wait3A_116 = tpu.memref_slice %arg4[%add3A_109, %dma_wait3A_114, %dma_wait3A_115] : memref<4096x200x128xf32, #tpu.memory_space<hbm>> -> memref<1x200x64xf32, #tpu.memory_space<hbm>>
    %dma_wait3A_117 = tpu.memref_squeeze %dma_wait3A_116 : memref<1x200x64xf32, #tpu.memory_space<hbm>> -> memref<200x64xf32, #tpu.memory_space<hbm>>
    tpu.wait_dma2 semaphore(%arg28 : memref<!tpu.dma_semaphore, #tpu.memory_space<semaphore_mem>>) src(%arg12 : memref<200x64xf32, #tpu.memory_space<vmem>>) dst(%dma_wait3A_117 : memref<200x64xf32, #tpu.memory_space<hbm>>)
    %add3A_118 = arith.constant 127 : i32
    %add3A_119 = arith.addi %mul3A_4, %add3A_118 : i32
    %dma_wait3A_120 = arith.constant 0 : i32
    %dma_wait3A_121 = arith.constant 0 : i32
    %dma_wait3A_122 = tpu.memref_slice %arg4[%add3A_119, %dma_wait3A_120, %dma_wait3A_121] : memref<4096x200x128xf32, #tpu.memory_space<hbm>> -> memref<1x200x64xf32, #tpu.memory_space<hbm>>
    %dma_wait3A_123 = tpu.memref_squeeze %dma_wait3A_122 : memref<1x200x64xf32, #tpu.memory_space<hbm>> -> memref<200x64xf32, #tpu.memory_space<hbm>>
    %dma_wait3A_124 = arith.constant 0 : i32
    %dma_wait3A_125 = arith.constant 0 : i32
    %dma_wait3A_126 = tpu.memref_slice %arg4[%add3A_119, %dma_wait3A_124, %dma_wait3A_125] : memref<4096x200x128xf32, #tpu.memory_space<hbm>> -> memref<1x200x64xf32, #tpu.memory_space<hbm>>
    %dma_wait3A_127 = tpu.memref_squeeze %dma_wait3A_126 : memref<1x200x64xf32, #tpu.memory_space<hbm>> -> memref<200x64xf32, #tpu.memory_space<hbm>>
    tpu.wait_dma2 semaphore(%arg29 : memref<!tpu.dma_semaphore, #tpu.memory_space<semaphore_mem>>) src(%arg13 : memref<200x64xf32, #tpu.memory_space<vmem>>) dst(%dma_wait3A_127 : memref<200x64xf32, #tpu.memory_space<hbm>>)
    return
  }
}

</mosaic_0001>

<sc_bundles>
// kernel: kernel.3.cloned.1.call-start
scs
__scs_entry_jumppad:
0x0: {  	(pc) =	sbr.rel $0x88, $3  }
0x1: {  	(tag) =	ssettag $0x0;
	lr =	simm.s32 $0x1  }
0x2: {  	[smem:$0x3F9F] =	sst lr;
	_ =	strace $0xD0000000  }
0x3: {  	_ = 	snop  }
0x4: {  	_ = 	snop  }
0x5: {  	_ = 	snop  }
0x6: {  	_ = 	snop  }
0x7: {  	_ = 	snop  }
__scs_overlays_trampoline_lowered:
0x8: {  	[smem:$0x3FAE] =	sst s0  }
0x9: {  	[smem:$0x3FAF] =	sst s1  }
0xa: {  	[smem:$0x3FB0] =	sst s2  }
0xb: {  	[smem:$0x3FB1] =	sst s3  }
0xc: {  	[smem:$0x3FB2] =	sst s4  }
0xd: {  	[smem:$0x3FB3] =	sst s5  }
0xe: {  	[smem:$0x3FB4] =	sst s6  }
0xf: {  	[smem:$0x3FB5] =	sst s7  }
0x10: {  	[smem:$0x3FB6] =	sst s8  }
0x11: {  	[smem:$0x3FB7] =	sst s9;
	s0 =	simm.s32 @!p0 $0x0  }
0x12: {  	s1 =	sld [smem:$0x3F9D];
	s0 =	simm.s32 @p0 $0x1  }
0x13: {  	[smem:$0x3FB8] =	sst s0;
	s0 =	simm.s32 @!p1 $0x0  }
0x14: {  	s2 =	sld [smem:$0x3F9C];
	s0 =	simm.s32 @p1 $0x1  }
0x15: {  	[smem:$0x3FB9] =	sst s0;
	s0 =	simm.s32 @!p2 $0x0  }
0x16: {  	s3 =	sld [smem:$0x3FDB];
	s0 =	simm.s32 @p2 $0x1  }
0x17: {  	s4 =	simm.s32 $0x1BF5;
	[smem:$0x3FBB] =	sst s0  }
0x18: {  	s0 =	sld [smem:$0x3F9E];
	_ =	swait.ge [sflag:s4], $0x0  }
0x19: {  	s7 =	sld [smem:$0x3F9F]  }
0x1a: {  	s8 =	sadd.s32 $0xFFFFE003, lr  }
0x1b: {  	s9 =	sadd.s32 $0xFFFFFEF7, lr;
	s5 =	simm.s32 $0xFFFFFFFF;
	p2 =	slt.u32 s8, $0xFFFFF086  }
0x1c: {  	p1 =	slt.u32 s9, $0xF7A;
	s5 =	simm.s32 @!p2 $0x0  }
0x1d: {  	s5 =	simm.s32 @p1 $0x1;
	p0 =	seq.s32 s7, s2  }
0x1e: {  	s7 =	smul.u32 @!p0 $0xF7A, s2;
	p2 =	seq.s32 @!p0 s5, $0x0  }
0x1f: {  	s9 =	smul.u32 $0xF7A, s1;
	s8 =	simm.s32 @!p0 $0x1BF5;
	p2 =	por !p2, p0  }
0x20: {  	[sflag:s8] =	ssyncset.s32 @!p0 $0xFFFFF086;
	s6 =	sadd.s32 @!p0 s3, s7;
	s7 =	simm.s32 @!p0 $0x108  }
0x21: {  	s3 =	sadd.s32 s3, s9;
	s6 =	sadd.s32 @!p0 $0x88, s6;
	s7 =	simm.s32 @p2 $0x1082  }
0x22: {  	[simem:s7], [sflag:s8] =	dma.local @!p0 [hbm:s6], $0xF7A  }
0x23: {  	s9 =	sor.u32 $0xD0000000, s2;
	s6 =	simm.s32 $0x108;
	_ =	swait.ge @!p0 [sflag:s8], $0x0  }
0x24: {  	s3 =	sadd.s32 $0x88, s3;
	s6 =	simm.s32 @!p1 $0x1082;
	[sflag:s4] =	ssyncset.s32 $0xFFFFF086  }
0x25: {  	[simem:s6], [sflag:s4] =	dma.local [hbm:s3], $0xF7A  }
0x26: {  	[smem:$0x3F9F] =	sst s1;
	(tag) =	ssettag s2;
	_ =	strace s9  }
0x27: {  	s1 =	sld [smem:$0x3FAF]  }
0x28: {  	s2 =	sld [smem:$0x3FB0]  }
0x29: {  	s4 =	sld [smem:$0x3FB2]  }
0x2a: {  	p0 =	seq.s32 s5, $0x0;
	s5 =	sld [smem:$0x3FB3]  }
0x2b: {  	s6 =	sld [smem:$0x3FB4]  }
0x2c: {  	s7 =	sld [smem:$0x3FB5]  }
0x2d: {  	s3 =	simm.s32 $0x108;
	s8 =	sld [smem:$0x3FB6]  }
0x2e: {  	s3 =	simm.s32 @!p0 $0x1082;
	s9 =	sld [smem:$0x3FB7]  }
0x2f: {  	lr =	sadd.s32 s0, s3;
	s0 =	sld [smem:$0x3FAE]  }
0x30: {  	s3 =	sld [smem:$0x3FB1]  }
0x31: {  	[smem:$0x3FBA] =	sst s10  }
0x32: {  	s10 =	sld [smem:$0x3FB8];
	_ =	sdelay $0x3  }
0x33: {  	p0 =	seq.s32 s10, $0x1;
	s10 =	sld [smem:$0x3FBA];
	_ =	sdelay $0x3  }
0x34: {  	[smem:$0x3FBA] =	sst s10  }
0x35: {  	s10 =	sld [smem:$0x3FB9];
	_ =	sdelay $0x3  }
0x36: {  	p1 =	seq.s32 s10, $0x1;
	s10 =	sld [smem:$0x3FBA];
	_ =	sdelay $0x3  }
0x37: {  	[smem:$0x3FBA] =	sst s10  }
0x38: {  	s10 =	sld [smem:$0x3FBB]  }
0x39: {  	_ = 	snop;
	(pc) =	sbr.ind lr, $3  }
0x3a: {  	_ = 	snop  }
0x3b: {  	_ = 	snop  }
0x3c: {  	p2 =	seq.s32 s10, $0x1;
	s10 =	sld [smem:$0x3FBA]  }
0x3d: {  	_ =	shalt  }
0x3e: {  	_ =	shalt  }
0x3f: {  	_ =	shalt  }
0x40: {  	_ =	shalt  }
0x41: {  	_ =	shalt  }
0x42: {  	_ =	shalt  }
0x43: {  	_ =	shalt  }
0x44: {  	_ =	shalt  }
0x45: {  	_ =	shalt  }
0x46: {  	_ =	shalt  }
0x47: {  	_ =	shalt  }
0x48: {  	_ =	shalt  }
0x49: {  	_ =	shalt  }
0x4a: {  	_ =	shalt  }
0x4b: {  	_ =	shalt  }
0x4c: {  	_ =	shalt  }
0x4d: {  	_ =	shalt  }
0x4e: {  	_ =	shalt  }
0x4f: {  	_ =	shalt  }
0x50: {  	_ =	shalt  }
0x51: {  	_ =	shalt  }
0x52: {  	_ =	shalt  }
0x53: {  	_ =	shalt  }
0x54: {  	_ =	shalt  }
0x55: {  	_ =	shalt  }
0x56: {  	_ =	shalt  }
0x57: {  	_ =	shalt  }
0x58: {  	_ =	shalt  }
0x59: {  	_ =	shalt  }
0x5a: {  	_ =	shalt  }
0x5b: {  	_ =	shalt  }
0x5c: {  	_ =	shalt  }
0x5d: {  	_ =	shalt  }
0x5e: {  	_ =	shalt  }
0x5f: {  	_ =	shalt  }
0x60: {  	_ =	shalt  }
0x61: {  	_ =	shalt  }
0x62: {  	_ =	shalt  }
0x63: {  	_ =	shalt  }
0x64: {  	_ =	shalt  }
0x65: {  	_ =	shalt  }
0x66: {  	_ =	shalt  }
0x67: {  	_ =	shalt  }
0x68: {  	_ =	shalt  }
0x69: {  	_ =	shalt  }
0x6a: {  	_ =	shalt  }
0x6b: {  	_ =	shalt  }
0x6c: {  	_ =	shalt  }
0x6d: {  	_ =	shalt  }
0x6e: {  	_ =	shalt  }
0x6f: {  	_ =	shalt  }
0x70: {  	_ =	shalt  }
0x71: {  	_ =	shalt  }
0x72: {  	_ =	shalt  }
0x73: {  	_ =	shalt  }
0x74: {  	_ =	shalt  }
0x75: {  	_ =	shalt  }
0x76: {  	_ =	shalt  }
0x77: {  	_ =	shalt  }
0x78: {  	_ =	shalt  }
0x79: {  	_ =	shalt  }
0x7a: {  	_ =	shalt  }
0x7b: {  	_ =	shalt  }
0x7c: {  	_ =	shalt  }
0x7d: {  	_ =	shalt  }
0x7e: {  	_ =	shalt  }
0x7f: {  	_ =	shalt  }
0x80: {  	_ =	shalt  }
0x81: {  	_ =	shalt  }
0x82: {  	_ =	shalt  }
0x83: {  	_ =	shalt  }
0x84: {  	_ =	shalt  }
0x85: {  	_ =	shalt  }
0x86: {  	_ =	shalt  }
0x87: {  	_ =	shalt  }
.Lfunc_end0:
.L_simem_size_0:
called_computation.1_lowered:
.L_overlay_start_0:
0x88: {  	s2 =	sld [smem:$0x3FD9]  }
0x89: {  	s3 =	sld [smem:$0x3FFE];
	_ =	sdelay $0x1  }
0x8a: {  	s1 =	srdreg.scid  }
0x8b: {  	s0 =	sand.u32 $0x1, s1  }
0x8c: {  	s17 =	sshll.u32 s0, $0xA;
	s2 =	sadd.s32 s3, s2  }
0x8d: {  	s2 =	sadd.s32 s2, s17  }
0x8e: {  	[smem:$0x3FC6] =	sst s2  }
0x8f: {  	_ = 	snop  }
0x90: {  	s2 =	sld [smem:$0x3FD0];
	(tm) =	ssettm $0x1  }
0x91: {  	s18 =	sld [smem:$0x3FFB];
	_ =	sdelay $0x3  }
0x92: {  	_ =	strace s18  }
0x93: {  	s3 =	sld [smem:$0x3FFC];
	_ =	sdelay $0x3  }
0x94: {  	_ =	strace s3  }
0x95: {  	s3 =	sld [smem:$0x3FFD];
	_ =	sdelay $0x3  }
0x96: {  	_ =	strace s3  }
0x97: {  	_ =	strace $0x8FFFFFFF  }
0x98: {  	s19 =	sld [smem:$0x3FDB];
	_ =	sdelay $0x1  }
0x99: {  	s4 =	simm.s32 $_scs_section_size  }
0x9a: {  	s5 =	simm.s32 $_size__tile_overlayer_lowered;
	s6 =	simm.s32 $_tile_overlayer_lowered  }
0x9b: {  	s22 =	simm.s32 $0x1BFF;
	s21 =	sshll.u32 s6, $0x1;
	s3 =	sadd.s32 s4, s19  }
0x9c: {  	s7 =	simm.s32 $0x0;
	s20 =	sshll.u32 s5, $0x1;
	s5 =	sadd.s32 s21, s3  }
0x9d: {  	[timem:s7], [sflag:s22] =	dma.local [hbm:s5], s20  }
0x9e: {  	_ =	swait.ge [sflag:s22], s20  }
0x9f: {  	s4 =	ssub.s32 $0x0, s20;
	[sflag:s22] =	ssyncset.done $0x0  }
0xa0: {  	[sflag:s22] =	ssyncadd.s32 s4;
	_ =	sdelay $0x1  }
0xa1: {  	s23 =	simm.s32 $0x1B8B  }
0xa2: {  	_ =	swait.ge [sflag:s23], $0x1  }
0xa3: {  	[sflag:s23] =	ssyncset.done $0x0  }
0xa4: {  	s25 =	simm.s32 $0x1B8E;
	s24 =	sld [smem:$0x3FFE];
	[sflag:s23] =	ssyncadd.s32 $0xFFFFFFFF  }
0xa5: {  	s26 =	simm.s32 $execute0_lowered;
	[smem:$0x3FD2] =	sst s25  }
0xa6: {  	s5 =	sshll.u32 s26, $0x1;
	_ =	strace $0x80000046;
	[dreg:$0x1] =	wrdreg $0xFFFFFFFF  }
0xa7: {  	s28 =	simm.s32 $_size_execute0_lowered;
	s3 =	sadd.s32 s3, s5;
	[dreg:$0x0] =	wrdreg $0x0  }
0xa8: {  	s5 =	sshll.u32 s28, $0x1;
	[dreg:$0x2] =	wrdreg s3  }
0xa9: {  	[dreg:$0x3] =	wrdreg s5  }
0xaa: {  	[dreg:$0x4] =	wrdreg $0xC0  }
0xab: {  	_ =	task [dreg:s7], $0x5FFFF  }
0xac: {  	[dreg:$0x1] =	wrdreg $0xFFFFFFFF  }
0xad: {  	[dreg:$0x0] =	wrdreg $0x60  }
0xae: {  	[dreg:$0x2] =	wrdreg s2  }
0xaf: {  	[dreg:$0x3] =	wrdreg s24  }
0xb0: {  	[dreg:$0x4] =	wrdreg $0x9  }
0xb1: {  	_ =	task.clear_ibuf [dreg:s7], $0x5FFFF;
	_ =	strace $0x90000046  }
0xb2: {  	s29 =	simm.s32 $0x9;
	_ =	strace $0x80000048  }
0xb3: {  	_ =	swait.ge [sflag:s29], $0x1  }
0xb4: {  	[sflag:s29] =	ssyncadd.s32 $0xFFFFFFFF  }
0xb5: {  	_ =	strace $0x90000048  }
0xb6: {  	_ =	sfence  }
0xb7: {  	s30 =	sld [smem:$0x0];
	_ =	sdelay $0x2  }
0xb8: {  	s31 =	sshll.u32 s1, $0xD;
	s1 =	sshrl.u32 s1, $0x2  }
0xb9: {  	s3 =	sand.u32 $0x4000, s31;
	s1 =	sadd.s32 s1, s30  }
0xba: {  	s0 =	sor.u32 s3, s0;
	s1 =	sshll.u32 s1, $0x11  }
0xbb: {  	s0 =	sor.u32 s1, s0  }
0xbc: {  	s0 =	sadd.s32 $0x8F2B, s0  }
0xbd: {  	[sflag:s0] =	ssyncadd.remote.s32 $0x1  }
0xbe: {  	_ =	sfence.sel $0xFFFF  }
0xbf: {  	[dreg:$0x0] =	wrdreg $0xFFFFFFFF;
	(pc) =	sbr.abs _section_cstart, $3  }
0xc0: {  	[dreg:$0x1] =	wrdreg $0xFFFFFFFF  }
0xc1: {  	_ =	task.clear_ibuf [dreg:s7], $0x2FFFF;
	_ =	strace $0x9FFFFFFF  }
0xc2: {  	(tm) =	ssettm $0x7FFFFFFF  }
0xc3: {  	_ =	shalt  }
tec
execute0_lowered:
.L_overlay_start_1:
0x0: {  	(tag) =	ssettag $0x1  }
0x1: {  	s0 =	rddreg [dreg:$0x0]  }
0x2: {  	s1 =	rddreg [dreg:$0x1]  }
0x3: {  	s4 =	stileid.u32;
	s2 =	srdreg.scid;
	s5 =	simm.s32 $0x0  }
0x4: {  	s8 =	simm.s32 $0xC8;
	s9 =	simm.s32 $0x6400;
	s10 =	simm.s32 $0x9600  }
0x5: {  	s12 =	simm.s32 $0xC800;
	s14 =	simm.s32 $0xFA00;
	s16 =	simm.s32 $0x12C00  }
0x6: {  	s18 =	simm.s32 $0x15E00;
	s20 =	simm.s32 $0x19000;
	s22 =	simm.s32 $0x1C200  }
0x7: {  	s28 =	simm.s32 $0x3;
	s29 =	simm.s32 $0x4;
	s30 =	simm.s32 $0x5  }
0x8: {  	s31 =	simm.s32 $0x6;
	s19 =	simm.s32 $0xD;
	s21 =	simm.s32 $0xE  }
0x9: {  	s2 =	sand.u32 $0x1, s2;
	s3 =	sshll.u32 s4, $0x1;
	s4 =	smul.u32 $0xC8000, s4  }
0xa: {  	[smem:$0x7FF] =	sst s5;
	s5 =	simm.s32 $0x0;
	s3 =	sor.u32 s2, s3  }
0xb: {  	s23 =	ssub.s32 $0x2, s2;
	_ =	strace $0x80000047;
	s2 =	smul.u32 $0x64000, s2  }
0xc: {  	s6 =	smul.u32 $0xC80, s3;
	s7 =	sshrl.u32 s23, $0x1;
	s3 =	sadd.s32 $0xF42E00, s1  }
0xd: {  	s1 =	sadd.s32 s4, s1;
	s4 =	simm.s32 $0x10;
	s24 =	ssub.s32 s23, s7  }
.Ltmp0:
0xe: {  	s26 =	sadd.s32 s2, s1;
	s23 =	simm.s32 $0x1;
	(pc) =	sbr.rel .LBB2_1-.Ltmp0, $4  }
0xf: {  	s1 =	simm.s32 $0x8;
	s2 =	simm.s32 $0xF;
	s0 =	sadd.s32 s0, s6  }
0x10: {  	s25 =	smax.u32 s24, $0x1;
	s24 =	simm.s32 $0x40;
	[dreg:$0x3] =	wrdreg s0  }
0x11: {  	[dreg:$0x4] =	wrdreg s25;
	s0 =	sadd.s32 $0xA00, s26;
	s25 =	simm.s32 $0x80  }
0x12: {  	s26 =	simm.s32 $0x2;
	[dreg:$0x5] =	wrdreg s0;
	s0 =	simm.s32 $0x7  }
.LBB2_4:
0x13: {  	s6 =	simm.s32 $0x9  }
0x14: {  	_ =	swait.ge [sflag:s6], $0x3200  }
0x15: {  	[sflag:s6] =	ssyncset.done $0x0  }
0x16: {  	s11 =	simm.s32 $0xA;
	[sflag:s6] =	ssyncadd.s32 $0xFFFFCE00  }
0x17: {  	_ =	swait.ge [sflag:s11], $0x3200  }
0x18: {  	[sflag:s11] =	ssyncset.done $0x0  }
0x19: {  	s13 =	simm.s32 $0xB;
	[sflag:s11] =	ssyncadd.s32 $0xFFFFCE00  }
0x1a: {  	_ =	swait.ge [sflag:s13], $0x3200  }
0x1b: {  	[sflag:s13] =	ssyncset.done $0x0  }
0x1c: {  	s15 =	simm.s32 $0xC;
	[sflag:s13] =	ssyncadd.s32 $0xFFFFCE00  }
0x1d: {  	_ =	swait.ge [sflag:s15], $0x3200  }
0x1e: {  	[sflag:s15] =	ssyncset.done $0x0  }
0x1f: {  	[sflag:s15] =	ssyncadd.s32 $0xFFFFCE00  }
0x20: {  	_ =	swait.ge [sflag:s19], $0x3200  }
0x21: {  	[sflag:s19] =	ssyncset.done $0x0  }
0x22: {  	[sflag:s19] =	ssyncadd.s32 $0xFFFFCE00  }
0x23: {  	_ =	swait.ge [sflag:s21], $0x3200  }
0x24: {  	[sflag:s21] =	ssyncset.done $0x0  }
0x25: {  	[sflag:s21] =	ssyncadd.s32 $0xFFFFCE00  }
0x26: {  	_ =	swait.ge [sflag:s2], $0x3200  }
0x27: {  	[sflag:s2] =	ssyncset.done $0x0  }
0x28: {  	[sflag:s2] =	ssyncadd.s32 $0xFFFFCE00  }
0x29: {  	_ =	swait.ge [sflag:s4], $0x3200  }
0x2a: {  	s5 =	sadd.s32 $0x1, s5;
	s17 =	rddreg [dreg:$0x4]  }
0x2b: {  	p0 =	sne.s32 s5, s17  }
.Ltmp1:
0x2c: {  	_ = 	snop;
	(pc) =	sbr.rel @!p0 .LBB2_5-.Ltmp1, $3  }
0x2d: {  	_ =	sdelay $0x1  }
0x2e: {  	[sflag:s4] =	ssyncset.done $0x0  }
0x2f: {  	[sflag:s4] =	ssyncadd.s32 $0xFFFFCE00  }
.LBB2_1:
0x30: {  	s6 =	simm.s32 $0x0;
	s7 =	rddreg [dreg:$0x3];
	s15 =	simm.s32 $0x11  }
0x31: {  	[tilespmem:s6], [sflag:$0x11] =	stream.linear.gather [hbm4b:s7+s6], $0x6400, $0x38;
	[tilespmem:$0x1F400] =	vst v63  }
0x32: {  	_ =	swait.ge [sflag:s15], $0x6400  }
0x33: {  	[sflag:s15] =	ssyncset.done $0x0  }
0x34: {  	[sflag:s15] =	ssyncadd.s32 $0xFFFF9C00  }
0x35: {  	[tilespmem:s9], [sflag:$0x1] =	stream.indirect.gather [hbm4b:s3+s8], $0x40, s6, s8, $0xb8;
	[tilespmem:$0x1F400] =	vst v63  }
0x36: {  	_ = 	snop  }
0x37: {  	[tilespmem:s10], [sflag:$0x2] =	stream.indirect.gather [hbm4b:s3+s8], $0x40, s8, s8, $0xb8;
	[tilespmem:$0x1F400] =	vst v63  }
0x38: {  	s17 =	simm.s32 $0x190  }
0x39: {  	[tilespmem:s12], [sflag:$0x3] =	stream.indirect.gather [hbm4b:s3+s8], $0x40, s17, s8, $0xb8;
	[tilespmem:$0x1F400] =	vst v63  }
0x3a: {  	s7 =	simm.s32 $0x258  }
0x3b: {  	[tilespmem:s14], [sflag:$0x4] =	stream.indirect.gather [hbm4b:s3+s8], $0x40, s7, s8, $0xb8;
	[tilespmem:$0x1F400] =	vst v63  }
0x3c: {  	s11 =	simm.s32 $0x320  }
0x3d: {  	[tilespmem:s16], [sflag:$0x5] =	stream.indirect.gather [hbm4b:s3+s8], $0x40, s11, s8, $0xb8;
	[tilespmem:$0x1F400] =	vst v63  }
0x3e: {  	s13 =	simm.s32 $0x3E8  }
0x3f: {  	[tilespmem:s18], [sflag:$0x6] =	stream.indirect.gather [hbm4b:s3+s8], $0x40, s13, s8, $0xb8;
	[tilespmem:$0x1F400] =	vst v63  }
0x40: {  	s15 =	simm.s32 $0x4B0  }
0x41: {  	[tilespmem:s20], [sflag:$0x7] =	stream.indirect.gather [hbm4b:s3+s8], $0x40, s15, s8, $0xb8;
	[tilespmem:$0x1F400] =	vst v63  }
0x42: {  	s6 =	rddreg [dreg:$0x5];
	s17 =	simm.s32 $0x578;
	s7 =	simm.s32 $0x0  }
0x43: {  	[tilespmem:s22], [sflag:$0x8] =	stream.indirect.gather [hbm4b:s3+s8], $0x40, s17, s8, $0xb8;
	[tilespmem:$0x1F400] =	vst v63  }
.LBB2_2:
0x44: {  	_ =	swait.ge [sflag:s23], $0x3200  }
0x45: {  	p0 =	seq.s32 s7, $0x17700;
	[sflag:s23] =	ssyncset.done $0x0  }
0x46: {  	s11 =	simm.s32 @!p0 $0x9;
	[sflag:s23] =	ssyncadd.s32 $0xFFFFCE00  }
0x47: {  	[hbm4b:s6+s24] =	stream.strided.scatter [tilespmem:s9], [sflag:$0x9], $0x3200, s25, s24, $0x38;
	[tilespmem:$0x1F400] =	vst v63  }
0x48: {  	_ =	swait.ge @!p0 [sflag:s11], $0x3200  }
0x49: {  	[sflag:s11] =	ssyncset.done @!p0 $0x0  }
0x4a: {  	[sflag:s11] =	ssyncadd.s32 @!p0 $0xFFFFCE00;
	s11 =	sshra.s32 @!p0 s7, $0x2  }
0x4b: {  	s13 =	simm.s32 @!p0 $0xC8;
	s17 =	simm.s32 @!p0 $0x6400;
	s15 =	sadd.s32 @!p0 $0x640, s11  }
0x4c: {  	[tilespmem:s17], [sflag:$0x1] =	stream.indirect.gather @!p0 [hbm4b:s3+s13], $0x40, s15, s13, $0xb8;
	[tilespmem:$0x1F400] =	vst v63  }
0x4d: {  	_ =	swait.ge [sflag:s26], $0x3200  }
0x4e: {  	[sflag:s26] =	ssyncset.done $0x0  }
0x4f: {  	s17 =	sadd.s32 $0xC80, s6;
	s15 =	simm.s32 @!p0 $0xA;
	[sflag:s26] =	ssyncadd.s32 $0xFFFFCE00  }
0x50: {  	[hbm4b:s17+s24] =	stream.strided.scatter [tilespmem:s10], [sflag:$0xA], $0x3200, s25, s24, $0x38;
	[tilespmem:$0x1F400] =	vst v63  }
0x51: {  	_ =	swait.ge @!p0 [sflag:s15], $0x3200  }
0x52: {  	[sflag:s15] =	ssyncset.done @!p0 $0x0  }
0x53: {  	s17 =	simm.s32 @!p0 $0x9600;
	[sflag:s15] =	ssyncadd.s32 @!p0 $0xFFFFCE00;
	s15 =	sadd.s32 @!p0 $0x708, s11  }
0x54: {  	[tilespmem:s17], [sflag:$0x2] =	stream.indirect.gather @!p0 [hbm4b:s3+s13], $0x40, s15, s13, $0xb8;
	[tilespmem:$0x1F400] =	vst v63  }
0x55: {  	_ =	swait.ge [sflag:s28], $0x3200  }
0x56: {  	[sflag:s28] =	ssyncset.done $0x0  }
0x57: {  	s17 =	sadd.s32 $0x1900, s6;
	s15 =	simm.s32 @!p0 $0xB;
	[sflag:s28] =	ssyncadd.s32 $0xFFFFCE00  }
0x58: {  	[hbm4b:s17+s24] =	stream.strided.scatter [tilespmem:s12], [sflag:$0xB], $0x3200, s25, s24, $0x38;
	[tilespmem:$0x1F400] =	vst v63  }
0x59: {  	_ =	swait.ge @!p0 [sflag:s15], $0x3200  }
0x5a: {  	[sflag:s15] =	ssyncset.done @!p0 $0x0  }
0x5b: {  	s17 =	simm.s32 @!p0 $0xC800;
	[sflag:s15] =	ssyncadd.s32 @!p0 $0xFFFFCE00;
	s15 =	sadd.s32 @!p0 $0x7D0, s11  }
0x5c: {  	[tilespmem:s17], [sflag:$0x3] =	stream.indirect.gather @!p0 [hbm4b:s3+s13], $0x40, s15, s13, $0xb8;
	[tilespmem:$0x1F400] =	vst v63  }
0x5d: {  	_ =	swait.ge [sflag:s29], $0x3200  }
0x5e: {  	[sflag:s29] =	ssyncset.done $0x0  }
0x5f: {  	s17 =	sadd.s32 $0x2580, s6;
	s15 =	simm.s32 @!p0 $0xC;
	[sflag:s29] =	ssyncadd.s32 $0xFFFFCE00  }
0x60: {  	[hbm4b:s17+s24] =	stream.strided.scatter [tilespmem:s14], [sflag:$0xC], $0x3200, s25, s24, $0x38;
	[tilespmem:$0x1F400] =	vst v63  }
0x61: {  	_ =	swait.ge @!p0 [sflag:s15], $0x3200  }
0x62: {  	[sflag:s15] =	ssyncset.done @!p0 $0x0  }
0x63: {  	s17 =	simm.s32 @!p0 $0xFA00;
	[sflag:s15] =	ssyncadd.s32 @!p0 $0xFFFFCE00;
	s15 =	sadd.s32 @!p0 $0x898, s11  }
0x64: {  	[tilespmem:s17], [sflag:$0x4] =	stream.indirect.gather @!p0 [hbm4b:s3+s13], $0x40, s15, s13, $0xb8;
	[tilespmem:$0x1F400] =	vst v63  }
0x65: {  	_ =	swait.ge [sflag:s30], $0x3200  }
0x66: {  	[sflag:s30] =	ssyncset.done $0x0  }
0x67: {  	s17 =	sadd.s32 $0x3200, s6;
	s15 =	simm.s32 @!p0 $0xD;
	[sflag:s30] =	ssyncadd.s32 $0xFFFFCE00  }
0x68: {  	[hbm4b:s17+s24] =	stream.strided.scatter [tilespmem:s16], [sflag:$0xD], $0x3200, s25, s24, $0x38;
	[tilespmem:$0x1F400] =	vst v63  }
0x69: {  	_ =	swait.ge @!p0 [sflag:s15], $0x3200  }
0x6a: {  	[sflag:s15] =	ssyncset.done @!p0 $0x0  }
0x6b: {  	s17 =	simm.s32 @!p0 $0x12C00;
	[sflag:s15] =	ssyncadd.s32 @!p0 $0xFFFFCE00;
	s15 =	sadd.s32 @!p0 $0x960, s11  }
0x6c: {  	[tilespmem:s17], [sflag:$0x5] =	stream.indirect.gather @!p0 [hbm4b:s3+s13], $0x40, s15, s13, $0xb8;
	[tilespmem:$0x1F400] =	vst v63  }
0x6d: {  	_ =	swait.ge [sflag:s31], $0x3200  }
0x6e: {  	[sflag:s31] =	ssyncset.done $0x0  }
0x6f: {  	s17 =	sadd.s32 $0x3E80, s6;
	s15 =	simm.s32 @!p0 $0xE;
	[sflag:s31] =	ssyncadd.s32 $0xFFFFCE00  }
0x70: {  	[hbm4b:s17+s24] =	stream.strided.scatter [tilespmem:s18], [sflag:$0xE], $0x3200, s25, s24, $0x38;
	[tilespmem:$0x1F400] =	vst v63  }
0x71: {  	_ =	swait.ge @!p0 [sflag:s15], $0x3200  }
0x72: {  	[sflag:s15] =	ssyncset.done @!p0 $0x0  }
0x73: {  	s17 =	simm.s32 @!p0 $0x15E00;
	[sflag:s15] =	ssyncadd.s32 @!p0 $0xFFFFCE00;
	s15 =	sadd.s32 @!p0 $0xA28, s11  }
0x74: {  	[tilespmem:s17], [sflag:$0x6] =	stream.indirect.gather @!p0 [hbm4b:s3+s13], $0x40, s15, s13, $0xb8;
	[tilespmem:$0x1F400] =	vst v63  }
0x75: {  	_ =	swait.ge [sflag:s0], $0x3200  }
0x76: {  	[sflag:s0] =	ssyncset.done $0x0  }
0x77: {  	s17 =	sadd.s32 $0x4B00, s6;
	s15 =	simm.s32 @!p0 $0xF;
	[sflag:s0] =	ssyncadd.s32 $0xFFFFCE00  }
0x78: {  	[hbm4b:s17+s24] =	stream.strided.scatter [tilespmem:s20], [sflag:$0xF], $0x3200, s25, s24, $0x38;
	[tilespmem:$0x1F400] =	vst v63  }
0x79: {  	_ =	swait.ge @!p0 [sflag:s15], $0x3200  }
0x7a: {  	[sflag:s15] =	ssyncset.done @!p0 $0x0  }
0x7b: {  	s11 =	sadd.s32 @!p0 $0xAF0, s11;
	[sflag:s15] =	ssyncadd.s32 @!p0 $0xFFFFCE00;
	s15 =	simm.s32 @!p0 $0x19000  }
0x7c: {  	[tilespmem:s15], [sflag:$0x7] =	stream.indirect.gather @!p0 [hbm4b:s3+s13], $0x40, s11, s13, $0xb8;
	[tilespmem:$0x1F400] =	vst v63  }
.Ltmp2:
0x7d: {  	_ = 	snop;
	(pc) =	sbr.rel @p0 .LBB2_4-.Ltmp2, $4  }
0x7e: {  	_ =	swait.ge [sflag:s1], $0x3200  }
0x7f: {  	[sflag:s1] =	ssyncset.done $0x0  }
0x80: {  	s17 =	sadd.s32 $0x5780, s6;
	[sflag:s1] =	ssyncadd.s32 $0xFFFFCE00  }
0x81: {  	[hbm4b:s17+s24] =	stream.strided.scatter [tilespmem:s22], [sflag:$0x10], $0x3200, s25, s24, $0x38;
	[tilespmem:$0x1F400] =	vst v63  }
.Ltmp3:
0x82: {  	(pc) =	sbr.rel .LBB2_2-.Ltmp3, $4  }
0x83: {  	_ =	swait.ge [sflag:s4], $0x3200  }
0x84: {  	s11 =	sshra.s32 s7, $0x2;
	s7 =	sadd.s32 $0x1900, s7;
	[sflag:s4] =	ssyncset.done $0x0  }
0x85: {  	s6 =	sadd.s32 $0x6400, s6;
	s11 =	sadd.s32 $0xBB8, s11;
	[sflag:s4] =	ssyncadd.s32 $0xFFFFCE00  }
0x86: {  	[tilespmem:s22], [sflag:$0x8] =	stream.indirect.gather [hbm4b:s3+s8], $0x40, s11, s8, $0xb8;
	[tilespmem:$0x1F400] =	vst v63  }
.LBB2_5:
0x87: {  	_ =	sfence.sel $0x180000  }
0x88: {  	[bflag:$0x0] =	sbarrier.arrive $0xFFFF  }
0x89: {  	_ =	strace $0x90000047  }
0x8a: {  	s0 =	stileid.u32;
	[bflag:$0x2] =	sbarrier.arrive $0xFFFF  }
0x8b: {  	p0 =	sne.s32 s0, $0x0;
	s0 =	rddreg [dreg:$0x2]  }
0x8c: {  	s0 =	sadd.s32 @!p0 $0x100000, s0  }
0x8d: {  	[sflag:s0] =	ssyncadd.tile.s32 @!p0 $0x1;
	_ =	shalt  }
.Lfunc_end2:
_tile_overlayer_lowered:
.L_overlay_start_2:
0x8e: {  	(tag) =	ssettag $0x2  }
0x8f: {  	s0 =	rddreg [dreg:$0x0];
	s2 =	stileid.u32  }
0x90: {  	s1 =	rddreg [dreg:$0x1];
	p0 =	sne.s32 s2, $0x0  }
0x91: {  	s3 =	rddreg [dreg:$0x2];
	[bflag:$0x3] =	sbarrier.arrive $0xFFFF;
	s2 =	simm.s32 @!p0 $0x1C11  }
0x92: {  	[timem:s3], [sflag:s2] =	dma.local @!p0 [hbm:s0], s1  }
0x93: {  	s0 =	simm.s32 @!p0 $0x11  }
0x94: {  	_ =	swait.ge @!p0 [sflag:s0], s1  }
0x95: {  	s1 =	ssub.s32 @!p0 $0x0, s1;
	[sflag:s0] =	ssyncset.done @!p0 $0x0  }
0x96: {  	[sflag:s0] =	ssyncadd.s32 @!p0 s1  }
0x97: {  	[bflag:$0x3] =	sbarrier.arrive $0xFFFF  }
0x98: {  	_ =	shalt  }

// kernel: sparse-core-data-format-call.cloned.1.call-start
scs
called_computation_lowered:
.L_overlay_start_0:
0x0: {  	s2 =	sld [smem:$0x3FD9]  }
0x1: {  	s3 =	sld [smem:$0x3FFE];
	_ =	sdelay $0x1  }
0x2: {  	s1 =	srdreg.scid  }
0x3: {  	s0 =	sand.u32 $0x1, s1  }
0x4: {  	s18 =	sshll.u32 s0, $0xA;
	s2 =	sadd.s32 s3, s2  }
0x5: {  	s2 =	sadd.s32 s2, s18  }
0x6: {  	[smem:$0x3FC6] =	sst s2  }
0x7: {  	_ = 	snop  }
0x8: {  	s2 =	sld [smem:$0x3FD0];
	(tm) =	ssettm $0x1  }
0x9: {  	s19 =	sld [smem:$0x3FFB];
	_ =	sdelay $0x3  }
0xa: {  	_ =	strace s19  }
0xb: {  	s3 =	sld [smem:$0x3FFC];
	_ =	sdelay $0x3  }
0xc: {  	_ =	strace s3  }
0xd: {  	s3 =	sld [smem:$0x3FFD];
	_ =	sdelay $0x3  }
0xe: {  	_ =	strace s3  }
0xf: {  	_ =	strace $0x8FFFFFFF  }
0x10: {  	s20 =	sld [smem:$0x3FDB];
	_ =	sdelay $0x1  }
0x11: {  	s4 =	simm.s32 $_scs_section_size  }
0x12: {  	s5 =	simm.s32 $_size__tile_overlayer_lowered;
	s6 =	simm.s32 $_tile_overlayer_lowered  }
0x13: {  	s23 =	simm.s32 $0x1BFF;
	s22 =	sshll.u32 s6, $0x1;
	s3 =	sadd.s32 s4, s20  }
0x14: {  	s7 =	simm.s32 $0x0;
	s21 =	sshll.u32 s5, $0x1;
	s5 =	sadd.s32 s22, s3  }
0x15: {  	[timem:s7], [sflag:s23] =	dma.local [hbm:s5], s21  }
0x16: {  	_ =	swait.ge [sflag:s23], s21  }
0x17: {  	s4 =	ssub.s32 $0x0, s21;
	[sflag:s23] =	ssyncset.done $0x0  }
0x18: {  	[sflag:s23] =	ssyncadd.s32 s4;
	_ =	sdelay $0x1  }
0x19: {  	s24 =	simm.s32 $0x1B8B  }
0x1a: {  	_ =	swait.ge [sflag:s24], $0x1  }
0x1b: {  	[sflag:s24] =	ssyncset.done $0x0  }
0x1c: {  	s26 =	simm.s32 $0x1B8E;
	s25 =	sld [smem:$0x3FFE];
	[sflag:s24] =	ssyncadd.s32 $0xFFFFFFFF  }
0x1d: {  	s27 =	simm.s32 $execute0_lowered;
	[smem:$0x3FD2] =	sst s26  }
0x1e: {  	s5 =	sshll.u32 s27, $0x1;
	_ =	strace $0x80000049;
	[dreg:$0x1] =	wrdreg $0xFFFFFFFF  }
0x1f: {  	s28 =	simm.s32 $_size_execute0_lowered;
	s3 =	sadd.s32 s3, s5;
	[dreg:$0x0] =	wrdreg $0x0  }
0x20: {  	s5 =	sshll.u32 s28, $0x1;
	[dreg:$0x2] =	wrdreg s3  }
0x21: {  	[dreg:$0x3] =	wrdreg s5  }
0x22: {  	[dreg:$0x4] =	wrdreg $0xC0  }
0x23: {  	_ =	task [dreg:s7], $0x5FFFF  }
0x24: {  	[dreg:$0x1] =	wrdreg $0xFFFFFFFF  }
0x25: {  	[dreg:$0x0] =	wrdreg $0x60  }
0x26: {  	[dreg:$0x2] =	wrdreg s25  }
0x27: {  	[dreg:$0x3] =	wrdreg s2  }
0x28: {  	[dreg:$0x4] =	wrdreg $0x9  }
0x29: {  	_ =	task.clear_ibuf [dreg:s7], $0x5FFFF;
	_ =	strace $0x90000049  }
0x2a: {  	s29 =	simm.s32 $0x9;
	_ =	strace $0x8000004B  }
0x2b: {  	_ =	swait.ge [sflag:s29], $0x1  }
0x2c: {  	[sflag:s29] =	ssyncadd.s32 $0xFFFFFFFF  }
0x2d: {  	_ =	strace $0x9000004B  }
0x2e: {  	_ =	sfence  }
0x2f: {  	s30 =	sld [smem:$0x0];
	_ =	sdelay $0x2  }
0x30: {  	s31 =	sshll.u32 s1, $0xD;
	s1 =	sshrl.u32 s1, $0x2  }
0x31: {  	s3 =	sand.u32 $0x4000, s31;
	s1 =	sadd.s32 s1, s30  }
0x32: {  	s0 =	sor.u32 s3, s0;
	s1 =	sshll.u32 s1, $0x11  }
0x33: {  	s0 =	sor.u32 s1, s0  }
0x34: {  	s0 =	sadd.s32 $0x8F2B, s0  }
0x35: {  	[sflag:s0] =	ssyncadd.remote.s32 $0x1  }
0x36: {  	_ =	sfence.sel $0xFFFF  }
0x37: {  	[dreg:$0x0] =	wrdreg $0xFFFFFFFF;
	(pc) =	sbr.abs _section_cstart, $3  }
0x38: {  	[dreg:$0x1] =	wrdreg $0xFFFFFFFF  }
0x39: {  	_ =	task.clear_ibuf [dreg:s7], $0x2FFFF;
	_ =	strace $0x9FFFFFFF  }
0x3a: {  	(tm) =	ssettm $0x7FFFFFFF  }
0x3b: {  	_ =	shalt  }
tec
execute0_lowered:
.L_overlay_start_1:
0x0: {  	(tag) =	ssettag $0x1  }
0x1: {  	s0 =	srdreg.scid  }
0x2: {  	s1 =	sshll.u32 s0, $0x4  }
0x3: {  	s0 =	stileid.u32;
	s1 =	sand.u32 $0x10, s1  }
0x4: {  	s1 =	sor.u32 s0, s1  }
0x5: {  	s6 =	rddreg [dreg:$0x0];
	s4 =	simm.s32 $0x1;
	s2 =	sshll.u32 s1, $0x7  }
0x6: {  	s7 =	simm.s32 $0x2;
	s12 =	simm.s32 $0x0;
	s1 =	ssub.s32 $0x1000, s2  }
0x7: {  	s8 =	simm.s32 $0x8000;
	s13 =	simm.s32 $0x0;
	s3 =	sand.u32 $0xF80, s1  }
0x8: {  	s9 =	simm.s32 $0x0;
	s5 =	sshrl.u32 s1, $0xC;
	p0 =	sne.s32 s3, $0x0  }
.Ltmp0:
0x9: {  	s1 =	rddreg [dreg:$0x2];
	s4 =	simm.s32 @!p0 $0x0;
	(pc) =	sbr.rel .LBB1_1-.Ltmp0, $4  }
0xa: {  	s11 =	simm.s32 $0x0;
	s3 =	rddreg [dreg:$0x1];
	s5 =	sadd.s32 s4, s5  }
0xb: {  	_ =	strace $0x8000004A;
	s4 =	simm.s32 $0x1;
	s5 =	smul.u32 $0xC8, s5  }
0xc: {  	s6 =	sadd.s32 $0xA00, s6;
	s10 =	smov.u32 s2;
	[sflag:s4] =	ssyncpa.u1 $0x0  }
0xd: {  	p0 =	por $0x0, $0x0;
	[sflag:s7] =	ssyncpa.u1 $0x0;
	s7 =	sor.u32 $0x1, s5  }
.LBB1_4:
0xe: {  	s16 =	sshll.u32 s13, $0x3;
	s17 =	sand.u32 $0x78, s13  }
0xf: {  	s30 =	sand.u32 $0x7E00, s13;
	s12 =	sshll.u32 s12, $0xF;
	s16 =	sand.u32 $0xC00, s16  }
0x10: {  	[tilespmem:s15+$0x810 ss:$0x81] =	vst.msk $0xffff, v2;
	s31 =	sand.u32 $0x7, s13;
	s16 =	sor.u32 s17, s16;
	s17 =	sadd.s32 s3, s30  }
0x11: {  	[tilespmem:s15+$0x1020 ss:$0x81] =	vst.msk $0xffff, v0;
	s13 =	sshll.u32 s31, $0x12;
	s12 =	sadd.s32 s12, s17;
	s16 =	sshrl.u32 s16, $0x3  }
0x12: {  	[tilespmem:s15+$0x0 ss:$0x81] =	vst.msk $0xffff, v1;
	s13 =	sor.u32 $0x400, s13;
	s12 =	sadd.s32 s16, s12  }
0x13: {  	[hbm4b:s12+s13] =	stream.strided.scatter [tilespmem:s14], [sflag:$0x2], $0x2000, s8, s13, $0x20;
	[tilespmem:$0x8080] =	vst v63  }
.LBB1_5:
0x14: {  	s14 =	sadd.s32 $0x1, s9  }
0x15: {  	s12 =	sadd.s32 $0x1000, s10;
	s16 =	smov.u32 s10;
	p2 =	sgt.s32 s14, $0xC7  }
0x16: {  	s16 =	smov.u32 @p2 s12  }
0x17: {  	s14 =	simm.s32 @p2 $0x0;
	p2 =	sgt.s32 s16, $0xFFF  }
0x18: {  	s16 =	smov.u32 @p2 s2;
	p2 =	sne.s32 s11, s7  }
.Ltmp1:
0x19: {  	p1 =	slt.u32 s11, $0x2;
	(pc) =	sbr.rel @!p2 .LBB1_6-.Ltmp1, $4  }
0x1a: {  	s15 =	simm.s32 @!p1 $0x2  }
0x1b: {  	s13 =	smov.u32 s10;
	p0 =	por !p0, !p0;
	_ =	swait.ge @!p1 [sflag:s15], $0x2000  }
0x1c: {  	s12 =	smov.u32 s9;
	[sflag:s15] =	ssyncset.done @!p1 $0x0;
	s9 =	smov.u32 s14  }
0x1d: {  	s11 =	sadd.s32 $0x1, s11;
	[sflag:s15] =	ssyncadd.s32 @!p1 $0xFFFFE000;
	s10 =	smov.u32 s16  }
.LBB1_1:
0x1e: {  	p1 =	sge.u32 s11, s5  }
0x1f: {  	s14 =	sand.u32 @!p1 $0x1FFFFFF, s9  }
0x20: {  	s15 =	smulhi.u32 @!p1 $0x147AE15, s14;
	_ =	sdelay $0x1  }
0x21: {  	s15 =	smul.u32 @!p1 $0xC8, s15  }
0x22: {  	s16 =	sxor.u32 @!p1 $0xFFFFFFFF, s11;
	s17 =	smul.u32 @!p1 $0xC80, s10  }
0x23: {  	s31 =	sadd.s32 $0xFFFFFFFF, s11;
	s16 =	sshll.u32 @!p1 s16, $0xD;
	s14 =	ssub.s32 @!p1 s14, s15  }
0x24: {  	s15 =	sand.u32 @!p1 $0x2000, s16;
	s16 =	sadd.s32 @!p1 s6, s17;
	s14 =	sshll.u32 @!p1 s14, $0x4  }
0x25: {  	s17 =	simm.s32 @!p1 $0x6400;
	s14 =	sadd.s32 @!p1 s14, s16;
	s16 =	simm.s32 @!p1 $0x40  }
0x26: {  	[tilespmem:s15], [sflag:$0x1] =	stream.strided.gather @!p1 [hbm4b:s14+s16], $0x2000, s17, s16, $0x38;
	[tilespmem:$0x8080] =	vst v63  }
0x27: {  	p1 =	sge.u32 s31, s5  }
.Ltmp2:
0x28: {  	_ = 	snop;
	(pc) =	sbr.rel @p1 .LBB1_5-.Ltmp2, $1  }
0x29: {  	_ =	sdelay $0x3  }
0x2a: {  	s14 =	simm.s32 $0x1  }
0x2b: {  	_ =	swait.ge [sflag:s4], $0x2000;
	s14 =	simm.s32 @!p0 $0x0  }
0x2c: {  	[sflag:s4] =	ssyncset.done $0x0;
	s15 =	sshll.u32 s14, $0xD  }
0x2d: {  	[sflag:s4] =	ssyncadd.s32 $0xFFFFE000;
	s18 =	sor.u32 $0x20, s15  }
0x2e: {  	s14 =	smul.u32 $0x8100, s14;
	v3 =	vld [tilespmem:s18+$0x10]  }
0x2f: {  	s30 =	sand.u32 $0x1, s11;
	v2 =	vld [tilespmem:s18+$0xFFFFFFF0]  }
0x30: {  	s15 =	smul.u32 $0x8100, s30;
	s14 =	sshrl.u32 s14, $0x2;
	v0 =	vld [tilespmem:s18+$0x0]  }
0x31: {  	v1 =	vld [tilespmem:s18+$0xFFFFFFE0];
	s16 =	sor.u32 $0x4000, s14  }
0x32: {  	s31 =	sshrl.u32 s15, $0x2;
	s15 =	sadd.s32 $0x0, s16  }
0x33: {  	s17 =	simm.s32 $0x4;
	s18 =	sadd.s32 $0x40, s18;
	s14 =	sor.u32 $0x4000, s31;
	[tilespmem:s15+$0x1830 ss:$0x81] =	vst.msk $0xffff, v3  }
.LBB1_3:
0x34: {  	v3 =	vld [tilespmem:s18+$0x10];
	p1 =	sne.s32 s17, $0x1FC;
	[tilespmem:s15+$0x810 ss:$0x81] =	vst.msk $0xffff, v2;
	s19 =	smov.u32 s17;
	s17 =	sadd.s32 $0x4, s17  }
.Ltmp3:
0x35: {  	v2 =	vld [tilespmem:s18+$0xFFFFFFF0];
	[tilespmem:s15+$0x1020 ss:$0x81] =	vst.msk $0xffff, v0;
	(pc) =	sbr.rel @p1 .LBB1_3-.Ltmp3, $4  }
0x36: {  	v0 =	vld [tilespmem:s18+$0x0];
	[tilespmem:s15+$0x0 ss:$0x81] =	vst.msk $0xffff, v1  }
0x37: {  	s15 =	sshra.s32 s19, $0x2;
	v1 =	vld [tilespmem:s18+$0xFFFFFFE0]  }
0x38: {  	s15 =	sadd.s32 s15, s16  }
0x39: {  	s18 =	sadd.s32 $0x40, s18;
	[tilespmem:s15+$0x1830 ss:$0x81] =	vst.msk $0xffff, v3  }
.Ltmp4:
0x3a: {  	_ = 	snop;
	(pc) =	sbr.rel .LBB1_4-.Ltmp4, $1  }
0x3b: {  	_ =	sdelay $0x3  }
.LBB1_6:
0x3c: {  	_ =	sfence.sel $0x180000  }
0x3d: {  	s2 =	simm.s32 $0x1;
	[bflag:$0x0] =	sbarrier.arrive $0xFFFF  }
0x3e: {  	s31 =	simm.s32 $0x2;
	[sflag:s2] =	ssyncpa.u1 $0x1  }
0x3f: {  	[sflag:s31] =	ssyncpa.u1 $0x1  }
0x40: {  	p0 =	sne.s32 s0, $0x0;
	_ =	strace $0x9000004A  }
0x41: {  	s0 =	sadd.s32 @!p0 $0x100000, s1;
	[bflag:$0x2] =	sbarrier.arrive $0xFFFF  }
0x42: {  	[sflag:s0] =	ssyncadd.tile.s32 @!p0 $0x1;
	_ =	shalt  }
.Lfunc_end1:
_tile_overlayer_lowered:
.L_overlay_start_2:
0x43: {  	(tag) =	ssettag $0x2  }
0x44: {  	s0 =	rddreg [dreg:$0x0];
	s2 =	stileid.u32  }
0x45: {  	s1 =	rddreg [dreg:$0x1];
	p0 =	sne.s32 s2, $0x0  }
0x46: {  	s3 =	rddreg [dreg:$0x2];
	[bflag:$0x3] =	sbarrier.arrive $0xFFFF;
	s2 =	simm.s32 @!p0 $0x1C01  }
0x47: {  	[timem:s3], [sflag:s2] =	dma.local @!p0 [hbm:s0], s1  }
0x48: {  	s0 =	simm.s32 @!p0 $0x1  }
0x49: {  	_ =	swait.ge @!p0 [sflag:s0], s1  }
0x4a: {  	s1 =	ssub.s32 @!p0 $0x0, s1;
	[sflag:s0] =	ssyncset.done @!p0 $0x0  }
0x4b: {  	[sflag:s0] =	ssyncadd.s32 @!p0 s1  }
0x4c: {  	[bflag:$0x3] =	sbarrier.arrive $0xFFFF  }
0x4d: {  	_ =	shalt  }

</sc_bundles>
